<compile_context>
chip_gen: v7x
topology: tpu7x:2x2x1
jax: 0.10.2.dev20260603
libtpu: 0.0.44.dev20260713+nightly
codegen_flags: <defaults>
</compile_context>

<pallas_src>
import functools

import jax
import jax.numpy as jnp
from jax import lax
from jax.experimental import pallas as pl
from jax.experimental.pallas import tpu as pltpu
from jax.experimental.pallas import tpu_sc as plsc

_EDGES = (
    0.0,
    0.10000000149011612,
    0.20000000298023224,
    0.30000001192092896,
    0.4000000059604645,
    0.5,
    0.6000000238418579,
    0.699999988079071,
    0.800000011920929,
    0.9000000357627869,
    1.0,
)
_NBINS = 10


def _rowstats(x_ref, lab_ref, u_ref, e_ref):
    x = x_ref[...]
    br = x.shape[0]
    m = jnp.max(x, axis=1, keepdims=True)
    t = jnp.exp(x - m)
    s1 = jnp.sum(t, axis=1, keepdims=True)
    s2 = jnp.sum(t * t, axis=1, keepdims=True)
    colf = lax.broadcasted_iota(jnp.int32, x.shape, 1).astype(jnp.float32)
    cand = jnp.where(x == m, colf, 2048.0)
    amaxf = jnp.min(cand, axis=1, keepdims=True)
    s1l = s1.reshape(br)
    s2l = s2.reshape(br)
    al = amaxf.reshape(br)
    u = -jnp.log2(s2l / (s1l * s1l) + 1e-12)
    labf = lab_ref[0, 0, :].astype(jnp.float32)
    u_ref[...] = u
    e_ref[...] = (al != labf).astype(jnp.float32)


def _binning(u_hbm, e_hbm, out_hbm, u_v, e_v, scr, *, ch, nc, nw):
    c = lax.axis_index("c")
    s = lax.axis_index("s")
    wid = s * nc + c
    base = wid * ch
    pltpu.sync_copy(u_hbm.at[pl.ds(base, ch)], u_v)
    pltpu.sync_copy(e_hbm.at[pl.ds(base, ch)], e_v)

    zero = jnp.zeros((16,), jnp.float32)

    def body(j, acc):
        u16 = u_v[pl.ds(j * 16, 16)]
        e16 = e_v[pl.ds(j * 16, 16)]
        acc = list(acc)
        for i in range(_NBINS):
            m = (u16 > _EDGES[i]) & (u16 <= _EDGES[i + 1])
            acc[i] = acc[i] + jnp.where(m, 1.0, 0.0)
            acc[_NBINS + i] = acc[_NBINS + i] + jnp.where(m, u16, 0.0)
            acc[2 * _NBINS + i] = acc[2 * _NBINS + i] + jnp.where(m, e16, 0.0)
        return tuple(acc)

    acc = lax.fori_loop(0, ch // 16, body, (zero,) * (3 * _NBINS))

    for j in range(3 * _NBINS):
        scr[j, :] = acc[j]
    scr[3 * _NBINS, :] = zero
    scr[3 * _NBINS + 1, :] = zero
    pltpu.sync_copy(scr, out_hbm.at[pl.ds(wid * 32, 32)])


def _finalize(p_ref, o_ref, *, n, nw):
    r = p_ref[...]
    tot = jnp.sum(r.reshape(nw, 32, 16), axis=(0, 2))
    cnt = tot[0:_NBINS]
    su = tot[_NBINS:2 * _NBINS]
    se = tot[2 * _NBINS:3 * _NBINS]
    safe = jnp.maximum(cnt, 1.0)
    gap = jnp.abs(su / safe - se / safe)
    vec = jnp.where(cnt > 0, gap * (cnt * (1.0 / n)), 0.0)
    o_ref[...] = jnp.sum(vec).reshape(1, 1)


def kernel(logits, labels, n_bins):
    del n_bins
    n, c = logits.shape
    br = 1024
    g = n // br
    lab3 = labels.reshape(g, 1, br)

    u, e = pl.pallas_call(
        _rowstats,
        grid=(g,),
        in_specs=[
            pl.BlockSpec((br, c), lambda i: (i, 0)),
            pl.BlockSpec((1, 1, br), lambda i: (i, 0, 0)),
        ],
        out_specs=[
            pl.BlockSpec((br,), lambda i: (i,)),
            pl.BlockSpec((br,), lambda i: (i,)),
        ],
        out_shape=[
            jax.ShapeDtypeStruct((n,), jnp.float32),
            jax.ShapeDtypeStruct((n,), jnp.float32),
        ],
        compiler_params=pltpu.CompilerParams(
            dimension_semantics=("parallel",)),
    )(logits, lab3)

    info = plsc.get_sparse_core_info()
    nc, ns = info.num_cores, info.num_subcores
    nw = nc * ns
    ch = n // nw
    mesh = plsc.VectorSubcoreMesh(core_axis_name="c", subcore_axis_name="s")
    partials = pl.kernel(
        functools.partial(_binning, ch=ch, nc=nc, nw=nw),
        out_type=jax.ShapeDtypeStruct((nw * 32, 16), jnp.float32),
        mesh=mesh,
        scratch_types=[
            pltpu.VMEM((ch,), jnp.float32),
            pltpu.VMEM((ch,), jnp.float32),
            pltpu.VMEM((32, 16), jnp.float32),
        ],
    )(u, e)

    uce = pl.pallas_call(
        functools.partial(_finalize, n=float(n), nw=nw),
        out_shape=jax.ShapeDtypeStruct((1, 1), jnp.float32),
    )(partials)
    return uce.reshape(1)

# --- scband reference (transcript-rebuilt; emitter-appended) ---
"""Pipeline reference for scband-ucewrapper-15444702397054 (READ-ONLY COPY).

The authoritative reference and input builder live on the scoring server;
editing this copy changes nothing except your own understanding.
"""

import jax, jax.numpy as jnp
import numpy as np


def setup_inputs(seed: int = 0) -> dict:
    key = jax.random.key(seed)
    k1, k2 = jax.random.split(key)
    logits = jax.random.normal(k1, (16384, 1000), dtype=jnp.float32)
    labels = jax.random.randint(k2, (16384,), 0, 1000, dtype=jnp.int32)
    return {"logits": logits, "labels": labels, "n_bins": 10}


def reference(logits, labels, n_bins):
    # entropy: -log2(sum(p^2) + eps)
    if logits.ndim == 3:
        p = jnp.mean(jax.nn.softmax(logits, axis=-1), axis=1)
    else:
        p = jax.nn.softmax(logits, axis=-1)
    u = -jnp.log2(jnp.sum(p ** 2, axis=-1) + 1e-12)
    e = (jnp.argmax(p, axis=-1) != labels).astype(jnp.float32)
    n_bins_static = 10
    edges = jnp.linspace(0.0, 1.0, n_bins_static + 1)
    edges = edges + jnp.asarray(n_bins - n_bins_static, edges.dtype) * 0.0
    n = u.shape[0]
    uce = jnp.zeros((1,), dtype=jnp.float32)
    for i in range(n_bins_static):
        lo = edges[i]
        hi = edges[i + 1]
        m = (u > lo) & (u <= hi)
        mf = m.astype(jnp.float32)
        cnt = jnp.sum(mf)
        safe = jnp.maximum(cnt, 1.0)
        mean_u = jnp.sum(u * mf) / safe
        mean_e = jnp.sum(e * mf) / safe
        gap = jnp.abs(mean_u - mean_e)
        uce = uce + jnp.where(cnt > 0, gap * (cnt / n), 0.0)
    return uce

if __name__ == "__main__":
    import jax
    _d = setup_inputs()
    print(jax.jit(kernel)(*tuple(_d.values())))

</pallas_src>

<mosaic_0001>
#map = affine_map<(d0, d1) -> (0)>
#map1 = affine_map<(d0, d1) -> (0, 0)>
module attributes {stable_mosaic.version = 14 : i64} {
  func.func @_binning(%arg0: i32, %arg1: i32, %arg2: memref<16384xf32, #tpu.memory_space<hbm>>, %arg3: memref<16384xf32, #tpu.memory_space<hbm>>, %arg4: memref<1024x16xf32, #tpu.memory_space<hbm>>, %arg5: memref<512xf32, #tpu.memory_space<vmem>>, %arg6: memref<512xf32, #tpu.memory_space<vmem>>, %arg7: memref<32x16xf32, #tpu.memory_space<vmem>>) attributes {dimension_semantics = [#tpu.dimension_semantics<core_parallel>, #tpu.dimension_semantics<subcore_parallel>], iteration_bounds = array<i64: 2, 16>, scalar_prefetch = 0 : i64, scratch_operands = 3 : i64, tpu.core_type = #tpu.core_type<sc_vector_subcore>, window_params = [{transform_indices = #map}, {transform_indices = #map}, {transform_indices = #map1}]} {
    %mul3A = arith.constant 2 : i32
    %mul3A_0 = arith.muli %arg1, %mul3A : i32
    %add3A = arith.addi %mul3A_0, %arg0 : i32
    %mul3A_1 = arith.constant 512 : i32
    %mul3A_2 = arith.muli %add3A, %mul3A_1 : i32
    "tpu.region"() ({
      %run_scoped3A = tpu.sem_alloc : memref<!tpu.dma_semaphore, #tpu.memory_space<semaphore_mem>>
      %dma_start3A = tpu.memref_slice %arg2[%mul3A_2] : memref<16384xf32, #tpu.memory_space<hbm>> -> memref<512xf32, #tpu.memory_space<hbm>>
      %dma_start3A_202 = tpu.memref_slice %arg2[%mul3A_2] : memref<16384xf32, #tpu.memory_space<hbm>> -> memref<512xf32, #tpu.memory_space<hbm>>
      tpu.enqueue_dma source(%dma_start3A_202 : memref<512xf32, #tpu.memory_space<hbm>>) target(%arg5 : memref<512xf32, #tpu.memory_space<vmem>>) target_semaphore(%run_scoped3A : memref<!tpu.dma_semaphore, #tpu.memory_space<semaphore_mem>>)
      %dma_wait3A = tpu.memref_slice %arg2[%mul3A_2] : memref<16384xf32, #tpu.memory_space<hbm>> -> memref<512xf32, #tpu.memory_space<hbm>>
      %dma_wait3A_203 = tpu.memref_slice %arg2[%mul3A_2] : memref<16384xf32, #tpu.memory_space<hbm>> -> memref<512xf32, #tpu.memory_space<hbm>>
      tpu.wait_dma2 semaphore(%run_scoped3A : memref<!tpu.dma_semaphore, #tpu.memory_space<semaphore_mem>>) src(%dma_wait3A_203 : memref<512xf32, #tpu.memory_space<hbm>>) dst(%arg5 : memref<512xf32, #tpu.memory_space<vmem>>)
      tpu.yield
    }) : () -> ()
    "tpu.region"() ({
      %run_scoped3A = tpu.sem_alloc : memref<!tpu.dma_semaphore, #tpu.memory_space<semaphore_mem>>
      %dma_start3A = tpu.memref_slice %arg3[%mul3A_2] : memref<16384xf32, #tpu.memory_space<hbm>> -> memref<512xf32, #tpu.memory_space<hbm>>
      %dma_start3A_202 = tpu.memref_slice %arg3[%mul3A_2] : memref<16384xf32, #tpu.memory_space<hbm>> -> memref<512xf32, #tpu.memory_space<hbm>>
      tpu.enqueue_dma source(%dma_start3A_202 : memref<512xf32, #tpu.memory_space<hbm>>) target(%arg6 : memref<512xf32, #tpu.memory_space<vmem>>) target_semaphore(%run_scoped3A : memref<!tpu.dma_semaphore, #tpu.memory_space<semaphore_mem>>)
      %dma_wait3A = tpu.memref_slice %arg3[%mul3A_2] : memref<16384xf32, #tpu.memory_space<hbm>> -> memref<512xf32, #tpu.memory_space<hbm>>
      %dma_wait3A_203 = tpu.memref_slice %arg3[%mul3A_2] : memref<16384xf32, #tpu.memory_space<hbm>> -> memref<512xf32, #tpu.memory_space<hbm>>
      tpu.wait_dma2 semaphore(%run_scoped3A : memref<!tpu.dma_semaphore, #tpu.memory_space<semaphore_mem>>) src(%dma_wait3A_203 : memref<512xf32, #tpu.memory_space<hbm>>) dst(%arg6 : memref<512xf32, #tpu.memory_space<vmem>>)
      tpu.yield
    }) : () -> ()
    %broadcast_in_dim3A = arith.constant 0.000000e+00 : f32
    %broadcast_in_dim3A_3 = vector.broadcast %broadcast_in_dim3A : f32 to vector<16xf32>
    %scan3A = arith.constant 0 : i32
    %scan3A_4 = arith.constant 32 : i32
    %scan3A_5 = arith.addi %scan3A, %scan3A_4 : i32
    %scan3A_6 = arith.constant 1 : i32
    %scan3A_7:30 = scf.for %scan3A_202 = %scan3A to %scan3A_5 step %scan3A_6 iter_args(%scan3A_203 = %broadcast_in_dim3A_3, %scan3A_204 = %broadcast_in_dim3A_3, %scan3A_205 = %broadcast_in_dim3A_3, %scan3A_206 = %broadcast_in_dim3A_3, %scan3A_207 = %broadcast_in_dim3A_3, %scan3A_208 = %broadcast_in_dim3A_3, %scan3A_209 = %broadcast_in_dim3A_3, %scan3A_210 = %broadcast_in_dim3A_3, %scan3A_211 = %broadcast_in_dim3A_3, %scan3A_212 = %broadcast_in_dim3A_3, %scan3A_213 = %broadcast_in_dim3A_3, %scan3A_214 = %broadcast_in_dim3A_3, %scan3A_215 = %broadcast_in_dim3A_3, %scan3A_216 = %broadcast_in_dim3A_3, %scan3A_217 = %broadcast_in_dim3A_3, %scan3A_218 = %broadcast_in_dim3A_3, %scan3A_219 = %broadcast_in_dim3A_3, %scan3A_220 = %broadcast_in_dim3A_3, %scan3A_221 = %broadcast_in_dim3A_3, %scan3A_222 = %broadcast_in_dim3A_3, %scan3A_223 = %broadcast_in_dim3A_3, %scan3A_224 = %broadcast_in_dim3A_3, %scan3A_225 = %broadcast_in_dim3A_3, %scan3A_226 = %broadcast_in_dim3A_3, %scan3A_227 = %broadcast_in_dim3A_3, %scan3A_228 = %broadcast_in_dim3A_3, %scan3A_229 = %broadcast_in_dim3A_3, %scan3A_230 = %broadcast_in_dim3A_3, %scan3A_231 = %broadcast_in_dim3A_3, %scan3A_232 = %broadcast_in_dim3A_3) -> (vector<16xf32>, vector<16xf32>, vector<16xf32>, vector<16xf32>, vector<16xf32>, vector<16xf32>, vector<16xf32>, vector<16xf32>, vector<16xf32>, vector<16xf32>, vector<16xf32>, vector<16xf32>, vector<16xf32>, vector<16xf32>, vector<16xf32>, vector<16xf32>, vector<16xf32>, vector<16xf32>, vector<16xf32>, vector<16xf32>, vector<16xf32>, vector<16xf32>, vector<16xf32>, vector<16xf32>, vector<16xf32>, vector<16xf32>, vector<16xf32>, vector<16xf32>, vector<16xf32>, vector<16xf32>)  : i32 {
      %mul3A_233 = arith.constant 16 : i32
      %mul3A_234 = arith.muli %scan3A_202, %mul3A_233 : i32
      %get3A = arith.index_cast %mul3A_234 : i32 to index
      %get3A_235 = tpu.vector_load %arg5[%get3A] {strides = array<i32>} : memref<512xf32, #tpu.memory_space<vmem>>, vector<16xf32>,
      %get3A_236 = vector.shape_cast %get3A_235 : vector<16xf32> to vector<16xf32>
      %mul3A_237 = arith.constant 16 : i32
      %mul3A_238 = arith.muli %scan3A_202, %mul3A_237 : i32
      %get3A_239 = arith.index_cast %mul3A_238 : i32 to index
      %get3A_240 = tpu.vector_load %arg6[%get3A_239] {strides = array<i32>} : memref<512xf32, #tpu.memory_space<vmem>>, vector<16xf32>,
      %get3A_241 = vector.shape_cast %get3A_240 : vector<16xf32> to vector<16xf32>
      %gt3A = arith.constant 0.000000e+00 : f32
      %gt3A_242 = vector.broadcast %gt3A : f32 to vector<16xf32>
      %gt3A_243 = arith.cmpf ogt, %get3A_236, %gt3A_242 : vector<16xf32>
      %le3A = arith.constant 1.000000e-01 : f32
      %le3A_244 = vector.broadcast %le3A : f32 to vector<16xf32>
      %le3A_245 = arith.cmpf ole, %get3A_236, %le3A_244 : vector<16xf32>
      %and3A = arith.andi %gt3A_243, %le3A_245 : vector<16xi1>
      %jit3A = arith.constant 1.000000e+00 : f32
      %jit3A_246 = arith.constant 0.000000e+00 : f32
      %broadcast_in_dim3A_247 = vector.broadcast %jit3A : f32 to vector<16xf32>
      %broadcast_in_dim3A_248 = vector.broadcast %jit3A_246 : f32 to vector<16xf32>
      %select_n3A = arith.select %and3A, %broadcast_in_dim3A_247, %broadcast_in_dim3A_248 : vector<16xi1>, vector<16xf32>
      %add3A_249 = arith.addf %scan3A_203, %select_n3A : vector<16xf32>
      %jit3A_250 = arith.constant 0.000000e+00 : f32
      %broadcast_in_dim3A_251 = vector.broadcast %jit3A_250 : f32 to vector<16xf32>
      %select_n3A_252 = arith.select %and3A, %get3A_236, %broadcast_in_dim3A_251 : vector<16xi1>, vector<16xf32>
      %add3A_253 = arith.addf %scan3A_213, %select_n3A_252 : vector<16xf32>
      %jit3A_254 = arith.constant 0.000000e+00 : f32
      %broadcast_in_dim3A_255 = vector.broadcast %jit3A_254 : f32 to vector<16xf32>
      %select_n3A_256 = arith.select %and3A, %get3A_241, %broadcast_in_dim3A_255 : vector<16xi1>, vector<16xf32>
      %add3A_257 = arith.addf %scan3A_223, %select_n3A_256 : vector<16xf32>
      %gt3A_258 = arith.constant 1.000000e-01 : f32
      %gt3A_259 = vector.broadcast %gt3A_258 : f32 to vector<16xf32>
      %gt3A_260 = arith.cmpf ogt, %get3A_236, %gt3A_259 : vector<16xf32>
      %le3A_261 = arith.constant 2.000000e-01 : f32
      %le3A_262 = vector.broadcast %le3A_261 : f32 to vector<16xf32>
      %le3A_263 = arith.cmpf ole, %get3A_236, %le3A_262 : vector<16xf32>
      %and3A_264 = arith.andi %gt3A_260, %le3A_263 : vector<16xi1>
      %jit3A_265 = arith.constant 1.000000e+00 : f32
      %jit3A_266 = arith.constant 0.000000e+00 : f32
      %broadcast_in_dim3A_267 = vector.broadcast %jit3A_265 : f32 to vector<16xf32>
      %broadcast_in_dim3A_268 = vector.broadcast %jit3A_266 : f32 to vector<16xf32>
      %select_n3A_269 = arith.select %and3A_264, %broadcast_in_dim3A_267, %broadcast_in_dim3A_268 : vector<16xi1>, vector<16xf32>
      %add3A_270 = arith.addf %scan3A_204, %select_n3A_269 : vector<16xf32>
      %jit3A_271 = arith.constant 0.000000e+00 : f32
      %broadcast_in_dim3A_272 = vector.broadcast %jit3A_271 : f32 to vector<16xf32>
      %select_n3A_273 = arith.select %and3A_264, %get3A_236, %broadcast_in_dim3A_272 : vector<16xi1>, vector<16xf32>
      %add3A_274 = arith.addf %scan3A_214, %select_n3A_273 : vector<16xf32>
      %jit3A_275 = arith.constant 0.000000e+00 : f32
      %broadcast_in_dim3A_276 = vector.broadcast %jit3A_275 : f32 to vector<16xf32>
      %select_n3A_277 = arith.select %and3A_264, %get3A_241, %broadcast_in_dim3A_276 : vector<16xi1>, vector<16xf32>
      %add3A_278 = arith.addf %scan3A_224, %select_n3A_277 : vector<16xf32>
      %gt3A_279 = arith.constant 2.000000e-01 : f32
      %gt3A_280 = vector.broadcast %gt3A_279 : f32 to vector<16xf32>
      %gt3A_281 = arith.cmpf ogt, %get3A_236, %gt3A_280 : vector<16xf32>
      %le3A_282 = arith.constant 3.000000e-01 : f32
      %le3A_283 = vector.broadcast %le3A_282 : f32 to vector<16xf32>
      %le3A_284 = arith.cmpf ole, %get3A_236, %le3A_283 : vector<16xf32>
      %and3A_285 = arith.andi %gt3A_281, %le3A_284 : vector<16xi1>
      %jit3A_286 = arith.constant 1.000000e+00 : f32
      %jit3A_287 = arith.constant 0.000000e+00 : f32
      %broadcast_in_dim3A_288 = vector.broadcast %jit3A_286 : f32 to vector<16xf32>
      %broadcast_in_dim3A_289 = vector.broadcast %jit3A_287 : f32 to vector<16xf32>
      %select_n3A_290 = arith.select %and3A_285, %broadcast_in_dim3A_288, %broadcast_in_dim3A_289 : vector<16xi1>, vector<16xf32>
      %add3A_291 = arith.addf %scan3A_205, %select_n3A_290 : vector<16xf32>
      %jit3A_292 = arith.constant 0.000000e+00 : f32
      %broadcast_in_dim3A_293 = vector.broadcast %jit3A_292 : f32 to vector<16xf32>
      %select_n3A_294 = arith.select %and3A_285, %get3A_236, %broadcast_in_dim3A_293 : vector<16xi1>, vector<16xf32>
      %add3A_295 = arith.addf %scan3A_215, %select_n3A_294 : vector<16xf32>
      %jit3A_296 = arith.constant 0.000000e+00 : f32
      %broadcast_in_dim3A_297 = vector.broadcast %jit3A_296 : f32 to vector<16xf32>
      %select_n3A_298 = arith.select %and3A_285, %get3A_241, %broadcast_in_dim3A_297 : vector<16xi1>, vector<16xf32>
      %add3A_299 = arith.addf %scan3A_225, %select_n3A_298 : vector<16xf32>
      %gt3A_300 = arith.constant 3.000000e-01 : f32
      %gt3A_301 = vector.broadcast %gt3A_300 : f32 to vector<16xf32>
      %gt3A_302 = arith.cmpf ogt, %get3A_236, %gt3A_301 : vector<16xf32>
      %le3A_303 = arith.constant 4.000000e-01 : f32
      %le3A_304 = vector.broadcast %le3A_303 : f32 to vector<16xf32>
      %le3A_305 = arith.cmpf ole, %get3A_236, %le3A_304 : vector<16xf32>
      %and3A_306 = arith.andi %gt3A_302, %le3A_305 : vector<16xi1>
      %jit3A_307 = arith.constant 1.000000e+00 : f32
      %jit3A_308 = arith.constant 0.000000e+00 : f32
      %broadcast_in_dim3A_309 = vector.broadcast %jit3A_307 : f32 to vector<16xf32>
      %broadcast_in_dim3A_310 = vector.broadcast %jit3A_308 : f32 to vector<16xf32>
      %select_n3A_311 = arith.select %and3A_306, %broadcast_in_dim3A_309, %broadcast_in_dim3A_310 : vector<16xi1>, vector<16xf32>
      %add3A_312 = arith.addf %scan3A_206, %select_n3A_311 : vector<16xf32>
      %jit3A_313 = arith.constant 0.000000e+00 : f32
      %broadcast_in_dim3A_314 = vector.broadcast %jit3A_313 : f32 to vector<16xf32>
      %select_n3A_315 = arith.select %and3A_306, %get3A_236, %broadcast_in_dim3A_314 : vector<16xi1>, vector<16xf32>
      %add3A_316 = arith.addf %scan3A_216, %select_n3A_315 : vector<16xf32>
      %jit3A_317 = arith.constant 0.000000e+00 : f32
      %broadcast_in_dim3A_318 = vector.broadcast %jit3A_317 : f32 to vector<16xf32>
      %select_n3A_319 = arith.select %and3A_306, %get3A_241, %broadcast_in_dim3A_318 : vector<16xi1>, vector<16xf32>
      %add3A_320 = arith.addf %scan3A_226, %select_n3A_319 : vector<16xf32>
      %gt3A_321 = arith.constant 4.000000e-01 : f32
      %gt3A_322 = vector.broadcast %gt3A_321 : f32 to vector<16xf32>
      %gt3A_323 = arith.cmpf ogt, %get3A_236, %gt3A_322 : vector<16xf32>
      %le3A_324 = arith.constant 5.000000e-01 : f32
      %le3A_325 = vector.broadcast %le3A_324 : f32 to vector<16xf32>
      %le3A_326 = arith.cmpf ole, %get3A_236, %le3A_325 : vector<16xf32>
      %and3A_327 = arith.andi %gt3A_323, %le3A_326 : vector<16xi1>
      %jit3A_328 = arith.constant 1.000000e+00 : f32
      %jit3A_329 = arith.constant 0.000000e+00 : f32
      %broadcast_in_dim3A_330 = vector.broadcast %jit3A_328 : f32 to vector<16xf32>
      %broadcast_in_dim3A_331 = vector.broadcast %jit3A_329 : f32 to vector<16xf32>
      %select_n3A_332 = arith.select %and3A_327, %broadcast_in_dim3A_330, %broadcast_in_dim3A_331 : vector<16xi1>, vector<16xf32>
      %add3A_333 = arith.addf %scan3A_207, %select_n3A_332 : vector<16xf32>
      %jit3A_334 = arith.constant 0.000000e+00 : f32
      %broadcast_in_dim3A_335 = vector.broadcast %jit3A_334 : f32 to vector<16xf32>
      %select_n3A_336 = arith.select %and3A_327, %get3A_236, %broadcast_in_dim3A_335 : vector<16xi1>, vector<16xf32>
      %add3A_337 = arith.addf %scan3A_217, %select_n3A_336 : vector<16xf32>
      %jit3A_338 = arith.constant 0.000000e+00 : f32
      %broadcast_in_dim3A_339 = vector.broadcast %jit3A_338 : f32 to vector<16xf32>
      %select_n3A_340 = arith.select %and3A_327, %get3A_241, %broadcast_in_dim3A_339 : vector<16xi1>, vector<16xf32>
      %add3A_341 = arith.addf %scan3A_227, %select_n3A_340 : vector<16xf32>
      %gt3A_342 = arith.constant 5.000000e-01 : f32
      %gt3A_343 = vector.broadcast %gt3A_342 : f32 to vector<16xf32>
      %gt3A_344 = arith.cmpf ogt, %get3A_236, %gt3A_343 : vector<16xf32>
      %le3A_345 = arith.constant 6.000000e-01 : f32
      %le3A_346 = vector.broadcast %le3A_345 : f32 to vector<16xf32>
      %le3A_347 = arith.cmpf ole, %get3A_236, %le3A_346 : vector<16xf32>
      %and3A_348 = arith.andi %gt3A_344, %le3A_347 : vector<16xi1>
      %jit3A_349 = arith.constant 1.000000e+00 : f32
      %jit3A_350 = arith.constant 0.000000e+00 : f32
      %broadcast_in_dim3A_351 = vector.broadcast %jit3A_349 : f32 to vector<16xf32>
      %broadcast_in_dim3A_352 = vector.broadcast %jit3A_350 : f32 to vector<16xf32>
      %select_n3A_353 = arith.select %and3A_348, %broadcast_in_dim3A_351, %broadcast_in_dim3A_352 : vector<16xi1>, vector<16xf32>
      %add3A_354 = arith.addf %scan3A_208, %select_n3A_353 : vector<16xf32>
      %jit3A_355 = arith.constant 0.000000e+00 : f32
      %broadcast_in_dim3A_356 = vector.broadcast %jit3A_355 : f32 to vector<16xf32>
      %select_n3A_357 = arith.select %and3A_348, %get3A_236, %broadcast_in_dim3A_356 : vector<16xi1>, vector<16xf32>
      %add3A_358 = arith.addf %scan3A_218, %select_n3A_357 : vector<16xf32>
      %jit3A_359 = arith.constant 0.000000e+00 : f32
      %broadcast_in_dim3A_360 = vector.broadcast %jit3A_359 : f32 to vector<16xf32>
      %select_n3A_361 = arith.select %and3A_348, %get3A_241, %broadcast_in_dim3A_360 : vector<16xi1>, vector<16xf32>
      %add3A_362 = arith.addf %scan3A_228, %select_n3A_361 : vector<16xf32>
      %gt3A_363 = arith.constant 6.000000e-01 : f32
      %gt3A_364 = vector.broadcast %gt3A_363 : f32 to vector<16xf32>
      %gt3A_365 = arith.cmpf ogt, %get3A_236, %gt3A_364 : vector<16xf32>
      %le3A_366 = arith.constant 0.699999988 : f32
      %le3A_367 = vector.broadcast %le3A_366 : f32 to vector<16xf32>
      %le3A_368 = arith.cmpf ole, %get3A_236, %le3A_367 : vector<16xf32>
      %and3A_369 = arith.andi %gt3A_365, %le3A_368 : vector<16xi1>
      %jit3A_370 = arith.constant 1.000000e+00 : f32
      %jit3A_371 = arith.constant 0.000000e+00 : f32
      %broadcast_in_dim3A_372 = vector.broadcast %jit3A_370 : f32 to vector<16xf32>
      %broadcast_in_dim3A_373 = vector.broadcast %jit3A_371 : f32 to vector<16xf32>
      %select_n3A_374 = arith.select %and3A_369, %broadcast_in_dim3A_372, %broadcast_in_dim3A_373 : vector<16xi1>, vector<16xf32>
      %add3A_375 = arith.addf %scan3A_209, %select_n3A_374 : vector<16xf32>
      %jit3A_376 = arith.constant 0.000000e+00 : f32
      %broadcast_in_dim3A_377 = vector.broadcast %jit3A_376 : f32 to vector<16xf32>
      %select_n3A_378 = arith.select %and3A_369, %get3A_236, %broadcast_in_dim3A_377 : vector<16xi1>, vector<16xf32>
      %add3A_379 = arith.addf %scan3A_219, %select_n3A_378 : vector<16xf32>
      %jit3A_380 = arith.constant 0.000000e+00 : f32
      %broadcast_in_dim3A_381 = vector.broadcast %jit3A_380 : f32 to vector<16xf32>
      %select_n3A_382 = arith.select %and3A_369, %get3A_241, %broadcast_in_dim3A_381 : vector<16xi1>, vector<16xf32>
      %add3A_383 = arith.addf %scan3A_229, %select_n3A_382 : vector<16xf32>
      %gt3A_384 = arith.constant 0.699999988 : f32
      %gt3A_385 = vector.broadcast %gt3A_384 : f32 to vector<16xf32>
      %gt3A_386 = arith.cmpf ogt, %get3A_236, %gt3A_385 : vector<16xf32>
      %le3A_387 = arith.constant 8.000000e-01 : f32
      %le3A_388 = vector.broadcast %le3A_387 : f32 to vector<16xf32>
      %le3A_389 = arith.cmpf ole, %get3A_236, %le3A_388 : vector<16xf32>
      %and3A_390 = arith.andi %gt3A_386, %le3A_389 : vector<16xi1>
      %jit3A_391 = arith.constant 1.000000e+00 : f32
      %jit3A_392 = arith.constant 0.000000e+00 : f32
      %broadcast_in_dim3A_393 = vector.broadcast %jit3A_391 : f32 to vector<16xf32>
      %broadcast_in_dim3A_394 = vector.broadcast %jit3A_392 : f32 to vector<16xf32>
      %select_n3A_395 = arith.select %and3A_390, %broadcast_in_dim3A_393, %broadcast_in_dim3A_394 : vector<16xi1>, vector<16xf32>
      %add3A_396 = arith.addf %scan3A_210, %select_n3A_395 : vector<16xf32>
      %jit3A_397 = arith.constant 0.000000e+00 : f32
      %broadcast_in_dim3A_398 = vector.broadcast %jit3A_397 : f32 to vector<16xf32>
      %select_n3A_399 = arith.select %and3A_390, %get3A_236, %broadcast_in_dim3A_398 : vector<16xi1>, vector<16xf32>
      %add3A_400 = arith.addf %scan3A_220, %select_n3A_399 : vector<16xf32>
      %jit3A_401 = arith.constant 0.000000e+00 : f32
      %broadcast_in_dim3A_402 = vector.broadcast %jit3A_401 : f32 to vector<16xf32>
      %select_n3A_403 = arith.select %and3A_390, %get3A_241, %broadcast_in_dim3A_402 : vector<16xi1>, vector<16xf32>
      %add3A_404 = arith.addf %scan3A_230, %select_n3A_403 : vector<16xf32>
      %gt3A_405 = arith.constant 8.000000e-01 : f32
      %gt3A_406 = vector.broadcast %gt3A_405 : f32 to vector<16xf32>
      %gt3A_407 = arith.cmpf ogt, %get3A_236, %gt3A_406 : vector<16xf32>
      %le3A_408 = arith.constant 0.900000035 : f32
      %le3A_409 = vector.broadcast %le3A_408 : f32 to vector<16xf32>
      %le3A_410 = arith.cmpf ole, %get3A_236, %le3A_409 : vector<16xf32>
      %and3A_411 = arith.andi %gt3A_407, %le3A_410 : vector<16xi1>
      %jit3A_412 = arith.constant 1.000000e+00 : f32
      %jit3A_413 = arith.constant 0.000000e+00 : f32
      %broadcast_in_dim3A_414 = vector.broadcast %jit3A_412 : f32 to vector<16xf32>
      %broadcast_in_dim3A_415 = vector.broadcast %jit3A_413 : f32 to vector<16xf32>
      %select_n3A_416 = arith.select %and3A_411, %broadcast_in_dim3A_414, %broadcast_in_dim3A_415 : vector<16xi1>, vector<16xf32>
      %add3A_417 = arith.addf %scan3A_211, %select_n3A_416 : vector<16xf32>
      %jit3A_418 = arith.constant 0.000000e+00 : f32
      %broadcast_in_dim3A_419 = vector.broadcast %jit3A_418 : f32 to vector<16xf32>
      %select_n3A_420 = arith.select %and3A_411, %get3A_236, %broadcast_in_dim3A_419 : vector<16xi1>, vector<16xf32>
      %add3A_421 = arith.addf %scan3A_221, %select_n3A_420 : vector<16xf32>
      %jit3A_422 = arith.constant 0.000000e+00 : f32
      %broadcast_in_dim3A_423 = vector.broadcast %jit3A_422 : f32 to vector<16xf32>
      %select_n3A_424 = arith.select %and3A_411, %get3A_241, %broadcast_in_dim3A_423 : vector<16xi1>, vector<16xf32>
      %add3A_425 = arith.addf %scan3A_231, %select_n3A_424 : vector<16xf32>
      %gt3A_426 = arith.constant 0.900000035 : f32
      %gt3A_427 = vector.broadcast %gt3A_426 : f32 to vector<16xf32>
      %gt3A_428 = arith.cmpf ogt, %get3A_236, %gt3A_427 : vector<16xf32>
      %le3A_429 = arith.constant 1.000000e+00 : f32
      %le3A_430 = vector.broadcast %le3A_429 : f32 to vector<16xf32>
      %le3A_431 = arith.cmpf ole, %get3A_236, %le3A_430 : vector<16xf32>
      %and3A_432 = arith.andi %gt3A_428, %le3A_431 : vector<16xi1>
      %jit3A_433 = arith.constant 1.000000e+00 : f32
      %jit3A_434 = arith.constant 0.000000e+00 : f32
      %broadcast_in_dim3A_435 = vector.broadcast %jit3A_433 : f32 to vector<16xf32>
      %broadcast_in_dim3A_436 = vector.broadcast %jit3A_434 : f32 to vector<16xf32>
      %select_n3A_437 = arith.select %and3A_432, %broadcast_in_dim3A_435, %broadcast_in_dim3A_436 : vector<16xi1>, vector<16xf32>
      %add3A_438 = arith.addf %scan3A_212, %select_n3A_437 : vector<16xf32>
      %jit3A_439 = arith.constant 0.000000e+00 : f32
      %broadcast_in_dim3A_440 = vector.broadcast %jit3A_439 : f32 to vector<16xf32>
      %select_n3A_441 = arith.select %and3A_432, %get3A_236, %broadcast_in_dim3A_440 : vector<16xi1>, vector<16xf32>
      %add3A_442 = arith.addf %scan3A_222, %select_n3A_441 : vector<16xf32>
      %jit3A_443 = arith.constant 0.000000e+00 : f32
      %broadcast_in_dim3A_444 = vector.broadcast %jit3A_443 : f32 to vector<16xf32>
      %select_n3A_445 = arith.select %and3A_432, %get3A_241, %broadcast_in_dim3A_444 : vector<16xi1>, vector<16xf32>
      %add3A_446 = arith.addf %scan3A_232, %select_n3A_445 : vector<16xf32>
      scf.yield %add3A_249, %add3A_270, %add3A_291, %add3A_312, %add3A_333, %add3A_354, %add3A_375, %add3A_396, %add3A_417, %add3A_438, %add3A_253, %add3A_274, %add3A_295, %add3A_316, %add3A_337, %add3A_358, %add3A_379, %add3A_400, %add3A_421, %add3A_442, %add3A_257, %add3A_278, %add3A_299, %add3A_320, %add3A_341, %add3A_362, %add3A_383, %add3A_404, %add3A_425, %add3A_446 : vector<16xf32>, vector<16xf32>, vector<16xf32>, vector<16xf32>, vector<16xf32>, vector<16xf32>, vector<16xf32>, vector<16xf32>, vector<16xf32>, vector<16xf32>, vector<16xf32>, vector<16xf32>, vector<16xf32>, vector<16xf32>, vector<16xf32>, vector<16xf32>, vector<16xf32>, vector<16xf32>, vector<16xf32>, vector<16xf32>, vector<16xf32>, vector<16xf32>, vector<16xf32>, vector<16xf32>, vector<16xf32>, vector<16xf32>, vector<16xf32>, vector<16xf32>, vector<16xf32>, vector<16xf32>
    }
    %scan3A_8 = arith.constant 32 : i32
    %swap3A = arith.constant 0 : i32
    %swap3A_9 = arith.index_cast %swap3A : i32 to index
    %swap3A_10 = arith.constant 0 : index
    %swap3A_11 = tpu.vector_load %arg7[%swap3A_9, %swap3A_10] {strides = array<i32>} : memref<32x16xf32, #tpu.memory_space<vmem>>, vector<1x16xf32>,
    %swap3A_12 = vector.shape_cast %swap3A_11 : vector<1x16xf32> to vector<16xf32>
    %swap3A_13 = vector.shape_cast %scan3A_7#0 : vector<16xf32> to vector<1x16xf32>
    tpu.vector_store %arg7[%swap3A_9, %swap3A_10], %swap3A_13 {strides = array<i32>} : memref<32x16xf32, #tpu.memory_space<vmem>>, vector<1x16xf32>,
    %swap3A_14 = arith.constant 1 : i32
    %swap3A_15 = arith.index_cast %swap3A_14 : i32 to index
    %swap3A_16 = arith.constant 0 : index
    %swap3A_17 = tpu.vector_load %arg7[%swap3A_15, %swap3A_16] {strides = array<i32>} : memref<32x16xf32, #tpu.memory_space<vmem>>, vector<1x16xf32>,
    %swap3A_18 = vector.shape_cast %swap3A_17 : vector<1x16xf32> to vector<16xf32>
    %swap3A_19 = vector.shape_cast %scan3A_7#1 : vector<16xf32> to vector<1x16xf32>
    tpu.vector_store %arg7[%swap3A_15, %swap3A_16], %swap3A_19 {strides = array<i32>} : memref<32x16xf32, #tpu.memory_space<vmem>>, vector<1x16xf32>,
    %swap3A_20 = arith.constant 2 : i32
    %swap3A_21 = arith.index_cast %swap3A_20 : i32 to index
    %swap3A_22 = arith.constant 0 : index
    %swap3A_23 = tpu.vector_load %arg7[%swap3A_21, %swap3A_22] {strides = array<i32>} : memref<32x16xf32, #tpu.memory_space<vmem>>, vector<1x16xf32>,
    %swap3A_24 = vector.shape_cast %swap3A_23 : vector<1x16xf32> to vector<16xf32>
    %swap3A_25 = vector.shape_cast %scan3A_7#2 : vector<16xf32> to vector<1x16xf32>
    tpu.vector_store %arg7[%swap3A_21, %swap3A_22], %swap3A_25 {strides = array<i32>} : memref<32x16xf32, #tpu.memory_space<vmem>>, vector<1x16xf32>,
    %swap3A_26 = arith.constant 3 : i32
    %swap3A_27 = arith.index_cast %swap3A_26 : i32 to index
    %swap3A_28 = arith.constant 0 : index
    %swap3A_29 = tpu.vector_load %arg7[%swap3A_27, %swap3A_28] {strides = array<i32>} : memref<32x16xf32, #tpu.memory_space<vmem>>, vector<1x16xf32>,
    %swap3A_30 = vector.shape_cast %swap3A_29 : vector<1x16xf32> to vector<16xf32>
    %swap3A_31 = vector.shape_cast %scan3A_7#3 : vector<16xf32> to vector<1x16xf32>
    tpu.vector_store %arg7[%swap3A_27, %swap3A_28], %swap3A_31 {strides = array<i32>} : memref<32x16xf32, #tpu.memory_space<vmem>>, vector<1x16xf32>,
    %swap3A_32 = arith.constant 4 : i32
    %swap3A_33 = arith.index_cast %swap3A_32 : i32 to index
    %swap3A_34 = arith.constant 0 : index
    %swap3A_35 = tpu.vector_load %arg7[%swap3A_33, %swap3A_34] {strides = array<i32>} : memref<32x16xf32, #tpu.memory_space<vmem>>, vector<1x16xf32>,
    %swap3A_36 = vector.shape_cast %swap3A_35 : vector<1x16xf32> to vector<16xf32>
    %swap3A_37 = vector.shape_cast %scan3A_7#4 : vector<16xf32> to vector<1x16xf32>
    tpu.vector_store %arg7[%swap3A_33, %swap3A_34], %swap3A_37 {strides = array<i32>} : memref<32x16xf32, #tpu.memory_space<vmem>>, vector<1x16xf32>,
    %swap3A_38 = arith.constant 5 : i32
    %swap3A_39 = arith.index_cast %swap3A_38 : i32 to index
    %swap3A_40 = arith.constant 0 : index
    %swap3A_41 = tpu.vector_load %arg7[%swap3A_39, %swap3A_40] {strides = array<i32>} : memref<32x16xf32, #tpu.memory_space<vmem>>, vector<1x16xf32>,
    %swap3A_42 = vector.shape_cast %swap3A_41 : vector<1x16xf32> to vector<16xf32>
    %swap3A_43 = vector.shape_cast %scan3A_7#5 : vector<16xf32> to vector<1x16xf32>
    tpu.vector_store %arg7[%swap3A_39, %swap3A_40], %swap3A_43 {strides = array<i32>} : memref<32x16xf32, #tpu.memory_space<vmem>>, vector<1x16xf32>,
    %swap3A_44 = arith.constant 6 : i32
    %swap3A_45 = arith.index_cast %swap3A_44 : i32 to index
    %swap3A_46 = arith.constant 0 : index
    %swap3A_47 = tpu.vector_load %arg7[%swap3A_45, %swap3A_46] {strides = array<i32>} : memref<32x16xf32, #tpu.memory_space<vmem>>, vector<1x16xf32>,
    %swap3A_48 = vector.shape_cast %swap3A_47 : vector<1x16xf32> to vector<16xf32>
    %swap3A_49 = vector.shape_cast %scan3A_7#6 : vector<16xf32> to vector<1x16xf32>
    tpu.vector_store %arg7[%swap3A_45, %swap3A_46], %swap3A_49 {strides = array<i32>} : memref<32x16xf32, #tpu.memory_space<vmem>>, vector<1x16xf32>,
    %swap3A_50 = arith.constant 7 : i32
    %swap3A_51 = arith.index_cast %swap3A_50 : i32 to index
    %swap3A_52 = arith.constant 0 : index
    %swap3A_53 = tpu.vector_load %arg7[%swap3A_51, %swap3A_52] {strides = array<i32>} : memref<32x16xf32, #tpu.memory_space<vmem>>, vector<1x16xf32>,
    %swap3A_54 = vector.shape_cast %swap3A_53 : vector<1x16xf32> to vector<16xf32>
    %swap3A_55 = vector.shape_cast %scan3A_7#7 : vector<16xf32> to vector<1x16xf32>
    tpu.vector_store %arg7[%swap3A_51, %swap3A_52], %swap3A_55 {strides = array<i32>} : memref<32x16xf32, #tpu.memory_space<vmem>>, vector<1x16xf32>,
    %swap3A_56 = arith.constant 8 : i32
    %swap3A_57 = arith.index_cast %swap3A_56 : i32 to index
    %swap3A_58 = arith.constant 0 : index
    %swap3A_59 = tpu.vector_load %arg7[%swap3A_57, %swap3A_58] {strides = array<i32>} : memref<32x16xf32, #tpu.memory_space<vmem>>, vector<1x16xf32>,
    %swap3A_60 = vector.shape_cast %swap3A_59 : vector<1x16xf32> to vector<16xf32>
    %swap3A_61 = vector.shape_cast %scan3A_7#8 : vector<16xf32> to vector<1x16xf32>
    tpu.vector_store %arg7[%swap3A_57, %swap3A_58], %swap3A_61 {strides = array<i32>} : memref<32x16xf32, #tpu.memory_space<vmem>>, vector<1x16xf32>,
    %swap3A_62 = arith.constant 9 : i32
    %swap3A_63 = arith.index_cast %swap3A_62 : i32 to index
    %swap3A_64 = arith.constant 0 : index
    %swap3A_65 = tpu.vector_load %arg7[%swap3A_63, %swap3A_64] {strides = array<i32>} : memref<32x16xf32, #tpu.memory_space<vmem>>, vector<1x16xf32>,
    %swap3A_66 = vector.shape_cast %swap3A_65 : vector<1x16xf32> to vector<16xf32>
    %swap3A_67 = vector.shape_cast %scan3A_7#9 : vector<16xf32> to vector<1x16xf32>
    tpu.vector_store %arg7[%swap3A_63, %swap3A_64], %swap3A_67 {strides = array<i32>} : memref<32x16xf32, #tpu.memory_space<vmem>>, vector<1x16xf32>,
    %swap3A_68 = arith.constant 10 : i32
    %swap3A_69 = arith.index_cast %swap3A_68 : i32 to index
    %swap3A_70 = arith.constant 0 : index
    %swap3A_71 = tpu.vector_load %arg7[%swap3A_69, %swap3A_70] {strides = array<i32>} : memref<32x16xf32, #tpu.memory_space<vmem>>, vector<1x16xf32>,
    %swap3A_72 = vector.shape_cast %swap3A_71 : vector<1x16xf32> to vector<16xf32>
    %swap3A_73 = vector.shape_cast %scan3A_7#10 : vector<16xf32> to vector<1x16xf32>
    tpu.vector_store %arg7[%swap3A_69, %swap3A_70], %swap3A_73 {strides = array<i32>} : memref<32x16xf32, #tpu.memory_space<vmem>>, vector<1x16xf32>,
    %swap3A_74 = arith.constant 11 : i32
    %swap3A_75 = arith.index_cast %swap3A_74 : i32 to index
    %swap3A_76 = arith.constant 0 : index
    %swap3A_77 = tpu.vector_load %arg7[%swap3A_75, %swap3A_76] {strides = array<i32>} : memref<32x16xf32, #tpu.memory_space<vmem>>, vector<1x16xf32>,
    %swap3A_78 = vector.shape_cast %swap3A_77 : vector<1x16xf32> to vector<16xf32>
    %swap3A_79 = vector.shape_cast %scan3A_7#11 : vector<16xf32> to vector<1x16xf32>
    tpu.vector_store %arg7[%swap3A_75, %swap3A_76], %swap3A_79 {strides = array<i32>} : memref<32x16xf32, #tpu.memory_space<vmem>>, vector<1x16xf32>,
    %swap3A_80 = arith.constant 12 : i32
    %swap3A_81 = arith.index_cast %swap3A_80 : i32 to index
    %swap3A_82 = arith.constant 0 : index
    %swap3A_83 = tpu.vector_load %arg7[%swap3A_81, %swap3A_82] {strides = array<i32>} : memref<32x16xf32, #tpu.memory_space<vmem>>, vector<1x16xf32>,
    %swap3A_84 = vector.shape_cast %swap3A_83 : vector<1x16xf32> to vector<16xf32>
    %swap3A_85 = vector.shape_cast %scan3A_7#12 : vector<16xf32> to vector<1x16xf32>
    tpu.vector_store %arg7[%swap3A_81, %swap3A_82], %swap3A_85 {strides = array<i32>} : memref<32x16xf32, #tpu.memory_space<vmem>>, vector<1x16xf32>,
    %swap3A_86 = arith.constant 13 : i32
    %swap3A_87 = arith.index_cast %swap3A_86 : i32 to index
    %swap3A_88 = arith.constant 0 : index
    %swap3A_89 = tpu.vector_load %arg7[%swap3A_87, %swap3A_88] {strides = array<i32>} : memref<32x16xf32, #tpu.memory_space<vmem>>, vector<1x16xf32>,
    %swap3A_90 = vector.shape_cast %swap3A_89 : vector<1x16xf32> to vector<16xf32>
    %swap3A_91 = vector.shape_cast %scan3A_7#13 : vector<16xf32> to vector<1x16xf32>
    tpu.vector_store %arg7[%swap3A_87, %swap3A_88], %swap3A_91 {strides = array<i32>} : memref<32x16xf32, #tpu.memory_space<vmem>>, vector<1x16xf32>,
    %swap3A_92 = arith.constant 14 : i32
    %swap3A_93 = arith.index_cast %swap3A_92 : i32 to index
    %swap3A_94 = arith.constant 0 : index
    %swap3A_95 = tpu.vector_load %arg7[%swap3A_93, %swap3A_94] {strides = array<i32>} : memref<32x16xf32, #tpu.memory_space<vmem>>, vector<1x16xf32>,
    %swap3A_96 = vector.shape_cast %swap3A_95 : vector<1x16xf32> to vector<16xf32>
    %swap3A_97 = vector.shape_cast %scan3A_7#14 : vector<16xf32> to vector<1x16xf32>
    tpu.vector_store %arg7[%swap3A_93, %swap3A_94], %swap3A_97 {strides = array<i32>} : memref<32x16xf32, #tpu.memory_space<vmem>>, vector<1x16xf32>,
    %swap3A_98 = arith.constant 15 : i32
    %swap3A_99 = arith.index_cast %swap3A_98 : i32 to index
    %swap3A_100 = arith.constant 0 : index
    %swap3A_101 = tpu.vector_load %arg7[%swap3A_99, %swap3A_100] {strides = array<i32>} : memref<32x16xf32, #tpu.memory_space<vmem>>, vector<1x16xf32>,
    %swap3A_102 = vector.shape_cast %swap3A_101 : vector<1x16xf32> to vector<16xf32>
    %swap3A_103 = vector.shape_cast %scan3A_7#15 : vector<16xf32> to vector<1x16xf32>
    tpu.vector_store %arg7[%swap3A_99, %swap3A_100], %swap3A_103 {strides = array<i32>} : memref<32x16xf32, #tpu.memory_space<vmem>>, vector<1x16xf32>,
    %swap3A_104 = arith.constant 16 : i32
    %swap3A_105 = arith.index_cast %swap3A_104 : i32 to index
    %swap3A_106 = arith.constant 0 : index
    %swap3A_107 = tpu.vector_load %arg7[%swap3A_105, %swap3A_106] {strides = array<i32>} : memref<32x16xf32, #tpu.memory_space<vmem>>, vector<1x16xf32>,
    %swap3A_108 = vector.shape_cast %swap3A_107 : vector<1x16xf32> to vector<16xf32>
    %swap3A_109 = vector.shape_cast %scan3A_7#16 : vector<16xf32> to vector<1x16xf32>
    tpu.vector_store %arg7[%swap3A_105, %swap3A_106], %swap3A_109 {strides = array<i32>} : memref<32x16xf32, #tpu.memory_space<vmem>>, vector<1x16xf32>,
    %swap3A_110 = arith.constant 17 : i32
    %swap3A_111 = arith.index_cast %swap3A_110 : i32 to index
    %swap3A_112 = arith.constant 0 : index
    %swap3A_113 = tpu.vector_load %arg7[%swap3A_111, %swap3A_112] {strides = array<i32>} : memref<32x16xf32, #tpu.memory_space<vmem>>, vector<1x16xf32>,
    %swap3A_114 = vector.shape_cast %swap3A_113 : vector<1x16xf32> to vector<16xf32>
    %swap3A_115 = vector.shape_cast %scan3A_7#17 : vector<16xf32> to vector<1x16xf32>
    tpu.vector_store %arg7[%swap3A_111, %swap3A_112], %swap3A_115 {strides = array<i32>} : memref<32x16xf32, #tpu.memory_space<vmem>>, vector<1x16xf32>,
    %swap3A_116 = arith.constant 18 : i32
    %swap3A_117 = arith.index_cast %swap3A_116 : i32 to index
    %swap3A_118 = arith.constant 0 : index
    %swap3A_119 = tpu.vector_load %arg7[%swap3A_117, %swap3A_118] {strides = array<i32>} : memref<32x16xf32, #tpu.memory_space<vmem>>, vector<1x16xf32>,
    %swap3A_120 = vector.shape_cast %swap3A_119 : vector<1x16xf32> to vector<16xf32>
    %swap3A_121 = vector.shape_cast %scan3A_7#18 : vector<16xf32> to vector<1x16xf32>
    tpu.vector_store %arg7[%swap3A_117, %swap3A_118], %swap3A_121 {strides = array<i32>} : memref<32x16xf32, #tpu.memory_space<vmem>>, vector<1x16xf32>,
    %swap3A_122 = arith.constant 19 : i32
    %swap3A_123 = arith.index_cast %swap3A_122 : i32 to index
    %swap3A_124 = arith.constant 0 : index
    %swap3A_125 = tpu.vector_load %arg7[%swap3A_123, %swap3A_124] {strides = array<i32>} : memref<32x16xf32, #tpu.memory_space<vmem>>, vector<1x16xf32>,
    %swap3A_126 = vector.shape_cast %swap3A_125 : vector<1x16xf32> to vector<16xf32>
    %swap3A_127 = vector.shape_cast %scan3A_7#19 : vector<16xf32> to vector<1x16xf32>
    tpu.vector_store %arg7[%swap3A_123, %swap3A_124], %swap3A_127 {strides = array<i32>} : memref<32x16xf32, #tpu.memory_space<vmem>>, vector<1x16xf32>,
    %swap3A_128 = arith.constant 20 : i32
    %swap3A_129 = arith.index_cast %swap3A_128 : i32 to index
    %swap3A_130 = arith.constant 0 : index
    %swap3A_131 = tpu.vector_load %arg7[%swap3A_129, %swap3A_130] {strides = array<i32>} : memref<32x16xf32, #tpu.memory_space<vmem>>, vector<1x16xf32>,
    %swap3A_132 = vector.shape_cast %swap3A_131 : vector<1x16xf32> to vector<16xf32>
    %swap3A_133 = vector.shape_cast %scan3A_7#20 : vector<16xf32> to vector<1x16xf32>
    tpu.vector_store %arg7[%swap3A_129, %swap3A_130], %swap3A_133 {strides = array<i32>} : memref<32x16xf32, #tpu.memory_space<vmem>>, vector<1x16xf32>,
    %swap3A_134 = arith.constant 21 : i32
    %swap3A_135 = arith.index_cast %swap3A_134 : i32 to index
    %swap3A_136 = arith.constant 0 : index
    %swap3A_137 = tpu.vector_load %arg7[%swap3A_135, %swap3A_136] {strides = array<i32>} : memref<32x16xf32, #tpu.memory_space<vmem>>, vector<1x16xf32>,
    %swap3A_138 = vector.shape_cast %swap3A_137 : vector<1x16xf32> to vector<16xf32>
    %swap3A_139 = vector.shape_cast %scan3A_7#21 : vector<16xf32> to vector<1x16xf32>
    tpu.vector_store %arg7[%swap3A_135, %swap3A_136], %swap3A_139 {strides = array<i32>} : memref<32x16xf32, #tpu.memory_space<vmem>>, vector<1x16xf32>,
    %swap3A_140 = arith.constant 22 : i32
    %swap3A_141 = arith.index_cast %swap3A_140 : i32 to index
    %swap3A_142 = arith.constant 0 : index
    %swap3A_143 = tpu.vector_load %arg7[%swap3A_141, %swap3A_142] {strides = array<i32>} : memref<32x16xf32, #tpu.memory_space<vmem>>, vector<1x16xf32>,
    %swap3A_144 = vector.shape_cast %swap3A_143 : vector<1x16xf32> to vector<16xf32>
    %swap3A_145 = vector.shape_cast %scan3A_7#22 : vector<16xf32> to vector<1x16xf32>
    tpu.vector_store %arg7[%swap3A_141, %swap3A_142], %swap3A_145 {strides = array<i32>} : memref<32x16xf32, #tpu.memory_space<vmem>>, vector<1x16xf32>,
    %swap3A_146 = arith.constant 23 : i32
    %swap3A_147 = arith.index_cast %swap3A_146 : i32 to index
    %swap3A_148 = arith.constant 0 : index
    %swap3A_149 = tpu.vector_load %arg7[%swap3A_147, %swap3A_148] {strides = array<i32>} : memref<32x16xf32, #tpu.memory_space<vmem>>, vector<1x16xf32>,
    %swap3A_150 = vector.shape_cast %swap3A_149 : vector<1x16xf32> to vector<16xf32>
    %swap3A_151 = vector.shape_cast %scan3A_7#23 : vector<16xf32> to vector<1x16xf32>
    tpu.vector_store %arg7[%swap3A_147, %swap3A_148], %swap3A_151 {strides = array<i32>} : memref<32x16xf32, #tpu.memory_space<vmem>>, vector<1x16xf32>,
    %swap3A_152 = arith.constant 24 : i32
    %swap3A_153 = arith.index_cast %swap3A_152 : i32 to index
    %swap3A_154 = arith.constant 0 : index
    %swap3A_155 = tpu.vector_load %arg7[%swap3A_153, %swap3A_154] {strides = array<i32>} : memref<32x16xf32, #tpu.memory_space<vmem>>, vector<1x16xf32>,
    %swap3A_156 = vector.shape_cast %swap3A_155 : vector<1x16xf32> to vector<16xf32>
    %swap3A_157 = vector.shape_cast %scan3A_7#24 : vector<16xf32> to vector<1x16xf32>
    tpu.vector_store %arg7[%swap3A_153, %swap3A_154], %swap3A_157 {strides = array<i32>} : memref<32x16xf32, #tpu.memory_space<vmem>>, vector<1x16xf32>,
    %swap3A_158 = arith.constant 25 : i32
    %swap3A_159 = arith.index_cast %swap3A_158 : i32 to index
    %swap3A_160 = arith.constant 0 : index
    %swap3A_161 = tpu.vector_load %arg7[%swap3A_159, %swap3A_160] {strides = array<i32>} : memref<32x16xf32, #tpu.memory_space<vmem>>, vector<1x16xf32>,
    %swap3A_162 = vector.shape_cast %swap3A_161 : vector<1x16xf32> to vector<16xf32>
    %swap3A_163 = vector.shape_cast %scan3A_7#25 : vector<16xf32> to vector<1x16xf32>
    tpu.vector_store %arg7[%swap3A_159, %swap3A_160], %swap3A_163 {strides = array<i32>} : memref<32x16xf32, #tpu.memory_space<vmem>>, vector<1x16xf32>,
    %swap3A_164 = arith.constant 26 : i32
    %swap3A_165 = arith.index_cast %swap3A_164 : i32 to index
    %swap3A_166 = arith.constant 0 : index
    %swap3A_167 = tpu.vector_load %arg7[%swap3A_165, %swap3A_166] {strides = array<i32>} : memref<32x16xf32, #tpu.memory_space<vmem>>, vector<1x16xf32>,
    %swap3A_168 = vector.shape_cast %swap3A_167 : vector<1x16xf32> to vector<16xf32>
    %swap3A_169 = vector.shape_cast %scan3A_7#26 : vector<16xf32> to vector<1x16xf32>
    tpu.vector_store %arg7[%swap3A_165, %swap3A_166], %swap3A_169 {strides = array<i32>} : memref<32x16xf32, #tpu.memory_space<vmem>>, vector<1x16xf32>,
    %swap3A_170 = arith.constant 27 : i32
    %swap3A_171 = arith.index_cast %swap3A_170 : i32 to index
    %swap3A_172 = arith.constant 0 : index
    %swap3A_173 = tpu.vector_load %arg7[%swap3A_171, %swap3A_172] {strides = array<i32>} : memref<32x16xf32, #tpu.memory_space<vmem>>, vector<1x16xf32>,
    %swap3A_174 = vector.shape_cast %swap3A_173 : vector<1x16xf32> to vector<16xf32>
    %swap3A_175 = vector.shape_cast %scan3A_7#27 : vector<16xf32> to vector<1x16xf32>
    tpu.vector_store %arg7[%swap3A_171, %swap3A_172], %swap3A_175 {strides = array<i32>} : memref<32x16xf32, #tpu.memory_space<vmem>>, vector<1x16xf32>,
    %swap3A_176 = arith.constant 28 : i32
    %swap3A_177 = arith.index_cast %swap3A_176 : i32 to index
    %swap3A_178 = arith.constant 0 : index
    %swap3A_179 = tpu.vector_load %arg7[%swap3A_177, %swap3A_178] {strides = array<i32>} : memref<32x16xf32, #tpu.memory_space<vmem>>, vector<1x16xf32>,
    %swap3A_180 = vector.shape_cast %swap3A_179 : vector<1x16xf32> to vector<16xf32>
    %swap3A_181 = vector.shape_cast %scan3A_7#28 : vector<16xf32> to vector<1x16xf32>
    tpu.vector_store %arg7[%swap3A_177, %swap3A_178], %swap3A_181 {strides = array<i32>} : memref<32x16xf32, #tpu.memory_space<vmem>>, vector<1x16xf32>,
    %swap3A_182 = arith.constant 29 : i32
    %swap3A_183 = arith.index_cast %swap3A_182 : i32 to index
    %swap3A_184 = arith.constant 0 : index
    %swap3A_185 = tpu.vector_load %arg7[%swap3A_183, %swap3A_184] {strides = array<i32>} : memref<32x16xf32, #tpu.memory_space<vmem>>, vector<1x16xf32>,
    %swap3A_186 = vector.shape_cast %swap3A_185 : vector<1x16xf32> to vector<16xf32>
    %swap3A_187 = vector.shape_cast %scan3A_7#29 : vector<16xf32> to vector<1x16xf32>
    tpu.vector_store %arg7[%swap3A_183, %swap3A_184], %swap3A_187 {strides = array<i32>} : memref<32x16xf32, #tpu.memory_space<vmem>>, vector<1x16xf32>,
    %swap3A_188 = arith.constant 30 : i32
    %swap3A_189 = arith.index_cast %swap3A_188 : i32 to index
    %swap3A_190 = arith.constant 0 : index
    %swap3A_191 = tpu.vector_load %arg7[%swap3A_189, %swap3A_190] {strides = array<i32>} : memref<32x16xf32, #tpu.memory_space<vmem>>, vector<1x16xf32>,
    %swap3A_192 = vector.shape_cast %swap3A_191 : vector<1x16xf32> to vector<16xf32>
    %swap3A_193 = vector.shape_cast %broadcast_in_dim3A_3 : vector<16xf32> to vector<1x16xf32>
    tpu.vector_store %arg7[%swap3A_189, %swap3A_190], %swap3A_193 {strides = array<i32>} : memref<32x16xf32, #tpu.memory_space<vmem>>, vector<1x16xf32>,
    %swap3A_194 = arith.constant 31 : i32
    %swap3A_195 = arith.index_cast %swap3A_194 : i32 to index
    %swap3A_196 = arith.constant 0 : index
    %swap3A_197 = tpu.vector_load %arg7[%swap3A_195, %swap3A_196] {strides = array<i32>} : memref<32x16xf32, #tpu.memory_space<vmem>>, vector<1x16xf32>,
    %swap3A_198 = vector.shape_cast %swap3A_197 : vector<1x16xf32> to vector<16xf32>
    %swap3A_199 = vector.shape_cast %broadcast_in_dim3A_3 : vector<16xf32> to vector<1x16xf32>
    tpu.vector_store %arg7[%swap3A_195, %swap3A_196], %swap3A_199 {strides = array<i32>} : memref<32x16xf32, #tpu.memory_space<vmem>>, vector<1x16xf32>,
    %mul3A_200 = arith.constant 32 : i32
    %mul3A_201 = arith.muli %add3A, %mul3A_200 : i32
    "tpu.region"() ({
      %run_scoped3A = tpu.sem_alloc : memref<!tpu.dma_semaphore, #tpu.memory_space<semaphore_mem>>
      %dma_start3A = arith.constant 0 : i32
      %dma_start3A_202 = tpu.memref_slice %arg4[%mul3A_201, %dma_start3A] : memref<1024x16xf32, #tpu.memory_space<hbm>> -> memref<32x16xf32, #tpu.memory_space<hbm>>
      %dma_start3A_203 = arith.constant 0 : i32
      %dma_start3A_204 = tpu.memref_slice %arg4[%mul3A_201, %dma_start3A_203] : memref<1024x16xf32, #tpu.memory_space<hbm>> -> memref<32x16xf32, #tpu.memory_space<hbm>>
      tpu.enqueue_dma source(%arg7 : memref<32x16xf32, #tpu.memory_space<vmem>>) target(%dma_start3A_204 : memref<32x16xf32, #tpu.memory_space<hbm>>) target_semaphore(%run_scoped3A : memref<!tpu.dma_semaphore, #tpu.memory_space<semaphore_mem>>)
      %dma_wait3A = arith.constant 0 : i32
      %dma_wait3A_205 = tpu.memref_slice %arg4[%mul3A_201, %dma_wait3A] : memref<1024x16xf32, #tpu.memory_space<hbm>> -> memref<32x16xf32, #tpu.memory_space<hbm>>
      %dma_wait3A_206 = arith.constant 0 : i32
      %dma_wait3A_207 = tpu.memref_slice %arg4[%mul3A_201, %dma_wait3A_206] : memref<1024x16xf32, #tpu.memory_space<hbm>> -> memref<32x16xf32, #tpu.memory_space<hbm>>
      tpu.wait_dma2 semaphore(%run_scoped3A : memref<!tpu.dma_semaphore, #tpu.memory_space<semaphore_mem>>) src(%arg7 : memref<32x16xf32, #tpu.memory_space<vmem>>) dst(%dma_wait3A_207 : memref<32x16xf32, #tpu.memory_space<hbm>>)
      tpu.yield
    }) : () -> ()
    return
  }
}

module attributes {stable_mosaic.version = 14 : i64} {
  func.func @_finalize(%arg0: memref<1024x16xf32, #tpu.memory_space<vmem>>, %arg1: memref<1x1xf32, #tpu.memory_space<vmem>>) attributes {dimension_semantics = [], scalar_prefetch = 0 : i64, scratch_operands = 0 : i64, tpu.core_type = #tpu.core_type<tc>} {
    %get3A = arith.constant 0 : index
    %get3A_0 = arith.constant 0 : index
    %get3A_1 = vector.load %arg0[%get3A, %get3A_0] : memref<1024x16xf32, #tpu.memory_space<vmem>>, vector<1024x16xf32>
    %reshape3A = vector.shape_cast %get3A_1 : vector<1024x16xf32> to vector<32x32x16xf32>
    %reduce_sum3A = arith.constant dense<0.000000e+00> : vector<32xf32>
    %reduce_sum3A_2 = vector.multi_reduction <add>, %reshape3A, %reduce_sum3A [0, 2] : vector<32x32x16xf32> to vector<32xf32>
    %slice3A = vector.extract_strided_slice %reduce_sum3A_2 {offsets = [0], sizes = [10], strides = [1]} : vector<32xf32> to vector<10xf32>
    %slice3A_3 = vector.extract_strided_slice %reduce_sum3A_2 {offsets = [10], sizes = [10], strides = [1]} : vector<32xf32> to vector<10xf32>
    %slice3A_4 = vector.extract_strided_slice %reduce_sum3A_2 {offsets = [20], sizes = [10], strides = [1]} : vector<32xf32> to vector<10xf32>
    %max3A = arith.constant 1.000000e+00 : f32
    %max3A_5 = vector.broadcast %max3A : f32 to vector<10xf32>
    %max3A_6 = arith.maximumf %slice3A, %max3A_5 : vector<10xf32>
    %div3A = arith.divf %slice3A_3, %max3A_6 : vector<10xf32>
    %div3A_7 = arith.divf %slice3A_4, %max3A_6 : vector<10xf32>
    %sub3A = arith.subf %div3A, %div3A_7 : vector<10xf32>
    %abs3A = math.absf %sub3A : vector<10xf32>
    %gt3A = arith.constant 0.000000e+00 : f32
    %gt3A_8 = vector.broadcast %gt3A : f32 to vector<10xf32>
    %gt3A_9 = arith.cmpf ogt, %slice3A, %gt3A_8 : vector<10xf32>
    %mul3A = arith.constant 6.10351563E-5 : f32
    %mul3A_10 = vector.broadcast %mul3A : f32 to vector<10xf32>
    %mul3A_11 = arith.mulf %slice3A, %mul3A_10 : vector<10xf32>
    %mul3A_12 = arith.mulf %abs3A, %mul3A_11 : vector<10xf32>
    %jit3A = arith.constant 0.000000e+00 : f32
    %broadcast_in_dim3A = vector.broadcast %jit3A : f32 to vector<10xf32>
    %select_n3A = arith.select %gt3A_9, %mul3A_12, %broadcast_in_dim3A : vector<10xi1>, vector<10xf32>
    %reduce_sum3A_13 = vector.shape_cast %select_n3A : vector<10xf32> to vector<1x10xf32>
    %reduce_sum3A_14 = arith.constant dense<0.000000e+00> : vector<1xf32>
    %reduce_sum3A_15 = vector.multi_reduction <add>, %reduce_sum3A_13, %reduce_sum3A_14 [1] : vector<1x10xf32> to vector<1xf32>
    %reduce_sum3A_16 = vector.shape_cast %reduce_sum3A_15 : vector<1xf32> to vector<1x1xf32>
    %reduce_sum3A_17 = vector.extract %reduce_sum3A_16[0, 0] : f32 from vector<1x1xf32>
    %reshape3A_18 = vector.broadcast %reduce_sum3A_17 : f32 to vector<1x1xf32>
    %swap3A = arith.constant 0 : index
    %swap3A_19 = arith.constant 0 : index
    %swap3A_20 = vector.load %arg1[%swap3A, %swap3A_19] : memref<1x1xf32, #tpu.memory_space<vmem>>, vector<1x1xf32>
    tpu.vector_store %arg1[%swap3A, %swap3A_19], %reshape3A_18 {strides = array<i32>} : memref<1x1xf32, #tpu.memory_space<vmem>>, vector<1x1xf32>,
    return
  }
}

module attributes {stable_mosaic.version = 14 : i64} {
  func.func @_rowstats(%arg0: i32, %arg1: memref<1024x1000xf32, #tpu.memory_space<vmem>>, %arg2: memref<1x1x1024xi32, #tpu.memory_space<vmem>>, %arg3: memref<1024xf32, #tpu.memory_space<vmem>>, %arg4: memref<1024xf32, #tpu.memory_space<vmem>>) attributes {dimension_semantics = [#tpu.dimension_semantics<parallel>], iteration_bounds = array<i64: 16>, scalar_prefetch = 0 : i64, scratch_operands = 0 : i64, tpu.core_type = #tpu.core_type<tc>, window_params = [{transform_indices = @transform_0, window_bounds = array<i64: 1024, 1000>}, {transform_indices = @transform_1, window_bounds = array<i64: 1, 1, 1024>}, {transform_indices = @transform_2, window_bounds = array<i64: 1024>}, {transform_indices = @transform_3, window_bounds = array<i64: 1024>}]} {
    %get3A = arith.constant 0 : index
    %get3A_0 = arith.constant 0 : index
    %get3A_1 = vector.load %arg1[%get3A, %get3A_0] : memref<1024x1000xf32, #tpu.memory_space<vmem>>, vector<1024x1000xf32>
    %reduce_max3A = arith.constant dense<0xFF800000> : vector<1024xf32>
    %reduce_max3A_2 = vector.multi_reduction <maximumf>, %get3A_1, %reduce_max3A [1] : vector<1024x1000xf32> to vector<1024xf32>
    %broadcast_in_dim3A = vector.shape_cast %reduce_max3A_2 : vector<1024xf32> to vector<1024x1xf32>
    %sub3A = vector.broadcast %broadcast_in_dim3A : vector<1024x1xf32> to vector<1024x1000xf32>
    %sub3A_3 = arith.subf %get3A_1, %sub3A : vector<1024x1000xf32>
    %exp3A = math.exp %sub3A_3 : vector<1024x1000xf32>
    %reduce_sum3A = arith.constant dense<0.000000e+00> : vector<1024xf32>
    %reduce_sum3A_4 = vector.multi_reduction <add>, %exp3A, %reduce_sum3A [1] : vector<1024x1000xf32> to vector<1024xf32>
    %broadcast_in_dim3A_5 = vector.shape_cast %reduce_sum3A_4 : vector<1024xf32> to vector<1024x1xf32>
    %mul3A = arith.mulf %exp3A, %exp3A : vector<1024x1000xf32>
    %reduce_sum3A_6 = arith.constant dense<0.000000e+00> : vector<1024xf32>
    %reduce_sum3A_7 = vector.multi_reduction <add>, %mul3A, %reduce_sum3A_6 [1] : vector<1024x1000xf32> to vector<1024xf32>
    %broadcast_in_dim3A_8 = vector.shape_cast %reduce_sum3A_7 : vector<1024xf32> to vector<1024x1xf32>
    %iota3A = tpu.iota {dimensions = array<i32: 1>} : vector<1024x1000xi32>
    %convert_element_type3A = arith.sitofp %iota3A : vector<1024x1000xi32> to vector<1024x1000xf32>
    %eq3A = vector.broadcast %broadcast_in_dim3A : vector<1024x1xf32> to vector<1024x1000xf32>
    %eq3A_9 = arith.cmpf oeq, %get3A_1, %eq3A : vector<1024x1000xf32>
    %jit3A = arith.constant 2.048000e+03 : f32
    %broadcast_in_dim3A_10 = vector.broadcast %jit3A : f32 to vector<1024x1000xf32>
    %select_n3A = arith.select %eq3A_9, %convert_element_type3A, %broadcast_in_dim3A_10 : vector<1024x1000xi1>, vector<1024x1000xf32>
    %reduce_min3A = arith.constant dense<0x7F800000> : vector<1024xf32>
    %reduce_min3A_11 = vector.multi_reduction <minimumf>, %select_n3A, %reduce_min3A [1] : vector<1024x1000xf32> to vector<1024xf32>
    %broadcast_in_dim3A_12 = vector.shape_cast %reduce_min3A_11 : vector<1024xf32> to vector<1024x1xf32>
    %reshape3A = vector.shape_cast %broadcast_in_dim3A_5 : vector<1024x1xf32> to vector<1024xf32>
    %reshape3A_13 = vector.shape_cast %broadcast_in_dim3A_8 : vector<1024x1xf32> to vector<1024xf32>
    %reshape3A_14 = vector.shape_cast %broadcast_in_dim3A_12 : vector<1024x1xf32> to vector<1024xf32>
    %mul3A_15 = arith.mulf %reshape3A, %reshape3A : vector<1024xf32>
    %div3A = arith.divf %reshape3A_13, %mul3A_15 : vector<1024xf32>
    %add3A = arith.constant 9.99999996E-13 : f32
    %add3A_16 = vector.broadcast %add3A : f32 to vector<1024xf32>
    %add3A_17 = arith.addf %div3A, %add3A_16 : vector<1024xf32>
    %log3A = math.log %add3A_17 : vector<1024xf32>
    %log3A_18 = arith.constant 2.000000e+00 : f32
    %log3A_19 = math.log %log3A_18 : f32
    %div3A_20 = vector.broadcast %log3A_19 : f32 to vector<1024xf32>
    %div3A_21 = arith.divf %log3A, %div3A_20 : vector<1024xf32>
    %neg3A = arith.constant 0.000000e+00 : f32
    %neg3A_22 = vector.broadcast %neg3A : f32 to vector<1024xf32>
    %neg3A_23 = arith.subf %neg3A_22, %div3A_21 : vector<1024xf32>
    %get3A_24 = arith.constant 0 : index
    %get3A_25 = arith.constant 0 : index
    %get3A_26 = arith.constant 0 : index
    %get3A_27 = vector.load %arg2[%get3A_24, %get3A_25, %get3A_26] : memref<1x1x1024xi32, #tpu.memory_space<vmem>>, vector<1x1x1024xi32>
    %get3A_28 = vector.shape_cast %get3A_27 : vector<1x1x1024xi32> to vector<1024xi32>
    %convert_element_type3A_29 = arith.sitofp %get3A_28 : vector<1024xi32> to vector<1024xf32>
    %swap3A = arith.constant 0 : index
    %swap3A_30 = vector.load %arg3[%swap3A] : memref<1024xf32, #tpu.memory_space<vmem>>, vector<1024xf32>
    tpu.vector_store %arg3[%swap3A], %neg3A_23 {strides = array<i32>} : memref<1024xf32, #tpu.memory_space<vmem>>, vector<1024xf32>,
    %ne3A = arith.cmpf one, %reshape3A_14, %convert_element_type3A_29 : vector<1024xf32>
    %convert_element_type3A_31 = arith.extui %ne3A : vector<1024xi1> to vector<1024xi32>
    %convert_element_type3A_32 = arith.sitofp %convert_element_type3A_31 : vector<1024xi32> to vector<1024xf32>
    %swap3A_33 = arith.constant 0 : index
    %swap3A_34 = vector.load %arg4[%swap3A_33] : memref<1024xf32, #tpu.memory_space<vmem>>, vector<1024xf32>
    tpu.vector_store %arg4[%swap3A_33], %convert_element_type3A_32 {strides = array<i32>} : memref<1024xf32, #tpu.memory_space<vmem>>, vector<1024xf32>,
    return
  }
  func.func @transform_0(%arg0: i32) -> (i32, i32) {
    %c0_i32 = arith.constant 0 : i32
    %c0_i32_0 = arith.constant 0 : i32
    return %arg0, %c0_i32 : i32, i32
  }
  func.func @transform_1(%arg0: i32) -> (i32, i32, i32) {
    %c0_i32 = arith.constant 0 : i32
    %c0_i32_0 = arith.constant 0 : i32
    %c0_i32_1 = arith.constant 0 : i32
    return %arg0, %c0_i32, %c0_i32_0 : i32, i32, i32
  }
  func.func @transform_2(%arg0: i32) -> i32 {
    %c0_i32 = arith.constant 0 : i32
    return %arg0 : i32
  }
  func.func @transform_3(%arg0: i32) -> i32 {
    %c0_i32 = arith.constant 0 : i32
    return %arg0 : i32
  }
}

</mosaic_0001>

<sc_bundles>
// kernel: kernel.5.cloned.1.call-start
scs
__scs_entry_jumppad:
0x0: {  	(pc) =	sbr.rel $0x88, $3  }
0x1: {  	(tag) =	ssettag $0x0;
	lr =	simm.s32 $0x1  }
0x2: {  	[smem:$0x3F9F] =	sst lr;
	_ =	strace $0xD0000000  }
0x3: {  	_ = 	snop  }
0x4: {  	_ = 	snop  }
0x5: {  	_ = 	snop  }
0x6: {  	_ = 	snop  }
0x7: {  	_ = 	snop  }
__scs_overlays_trampoline_lowered:
0x8: {  	[smem:$0x3FAE] =	sst s0  }
0x9: {  	[smem:$0x3FAF] =	sst s1  }
0xa: {  	[smem:$0x3FB0] =	sst s2  }
0xb: {  	[smem:$0x3FB1] =	sst s3  }
0xc: {  	[smem:$0x3FB2] =	sst s4  }
0xd: {  	[smem:$0x3FB3] =	sst s5  }
0xe: {  	[smem:$0x3FB4] =	sst s6  }
0xf: {  	[smem:$0x3FB5] =	sst s7  }
0x10: {  	[smem:$0x3FB6] =	sst s8  }
0x11: {  	[smem:$0x3FB7] =	sst s9;
	s0 =	simm.s32 @!p0 $0x0  }
0x12: {  	s1 =	sld [smem:$0x3F9D];
	s0 =	simm.s32 @p0 $0x1  }
0x13: {  	[smem:$0x3FB8] =	sst s0;
	s0 =	simm.s32 @!p1 $0x0  }
0x14: {  	s2 =	sld [smem:$0x3F9C];
	s0 =	simm.s32 @p1 $0x1  }
0x15: {  	[smem:$0x3FB9] =	sst s0;
	s0 =	simm.s32 @!p2 $0x0  }
0x16: {  	s3 =	sld [smem:$0x3FDB];
	s0 =	simm.s32 @p2 $0x1  }
0x17: {  	s4 =	simm.s32 $0x1BF5;
	[smem:$0x3FBB] =	sst s0  }
0x18: {  	s0 =	sld [smem:$0x3F9E];
	_ =	swait.ge [sflag:s4], $0x0  }
0x19: {  	s7 =	sld [smem:$0x3F9F]  }
0x1a: {  	s8 =	sadd.s32 $0xFFFFE003, lr  }
0x1b: {  	s9 =	sadd.s32 $0xFFFFFEF7, lr;
	s5 =	simm.s32 $0xFFFFFFFF;
	p2 =	slt.u32 s8, $0xFFFFF086  }
0x1c: {  	p1 =	slt.u32 s9, $0xF7A;
	s5 =	simm.s32 @!p2 $0x0  }
0x1d: {  	s5 =	simm.s32 @p1 $0x1;
	p0 =	seq.s32 s7, s2  }
0x1e: {  	s7 =	smul.u32 @!p0 $0xF7A, s2;
	p2 =	seq.s32 @!p0 s5, $0x0  }
0x1f: {  	s9 =	smul.u32 $0xF7A, s1;
	s8 =	simm.s32 @!p0 $0x1BF5;
	p2 =	por !p2, p0  }
0x20: {  	[sflag:s8] =	ssyncset.s32 @!p0 $0xFFFFF086;
	s6 =	sadd.s32 @!p0 s3, s7;
	s7 =	simm.s32 @!p0 $0x108  }
0x21: {  	s3 =	sadd.s32 s3, s9;
	s6 =	sadd.s32 @!p0 $0x88, s6;
	s7 =	simm.s32 @p2 $0x1082  }
0x22: {  	[simem:s7], [sflag:s8] =	dma.local @!p0 [hbm:s6], $0xF7A  }
0x23: {  	s9 =	sor.u32 $0xD0000000, s2;
	s6 =	simm.s32 $0x108;
	_ =	swait.ge @!p0 [sflag:s8], $0x0  }
0x24: {  	s3 =	sadd.s32 $0x88, s3;
	s6 =	simm.s32 @!p1 $0x1082;
	[sflag:s4] =	ssyncset.s32 $0xFFFFF086  }
0x25: {  	[simem:s6], [sflag:s4] =	dma.local [hbm:s3], $0xF7A  }
0x26: {  	[smem:$0x3F9F] =	sst s1;
	(tag) =	ssettag s2;
	_ =	strace s9  }
0x27: {  	s1 =	sld [smem:$0x3FAF]  }
0x28: {  	s2 =	sld [smem:$0x3FB0]  }
0x29: {  	s4 =	sld [smem:$0x3FB2]  }
0x2a: {  	p0 =	seq.s32 s5, $0x0;
	s5 =	sld [smem:$0x3FB3]  }
0x2b: {  	s6 =	sld [smem:$0x3FB4]  }
0x2c: {  	s7 =	sld [smem:$0x3FB5]  }
0x2d: {  	s3 =	simm.s32 $0x108;
	s8 =	sld [smem:$0x3FB6]  }
0x2e: {  	s3 =	simm.s32 @!p0 $0x1082;
	s9 =	sld [smem:$0x3FB7]  }
0x2f: {  	lr =	sadd.s32 s0, s3;
	s0 =	sld [smem:$0x3FAE]  }
0x30: {  	s3 =	sld [smem:$0x3FB1]  }
0x31: {  	[smem:$0x3FBA] =	sst s10  }
0x32: {  	s10 =	sld [smem:$0x3FB8];
	_ =	sdelay $0x3  }
0x33: {  	p0 =	seq.s32 s10, $0x1;
	s10 =	sld [smem:$0x3FBA];
	_ =	sdelay $0x3  }
0x34: {  	[smem:$0x3FBA] =	sst s10  }
0x35: {  	s10 =	sld [smem:$0x3FB9];
	_ =	sdelay $0x3  }
0x36: {  	p1 =	seq.s32 s10, $0x1;
	s10 =	sld [smem:$0x3FBA];
	_ =	sdelay $0x3  }
0x37: {  	[smem:$0x3FBA] =	sst s10  }
0x38: {  	s10 =	sld [smem:$0x3FBB]  }
0x39: {  	_ = 	snop;
	(pc) =	sbr.ind lr, $3  }
0x3a: {  	_ = 	snop  }
0x3b: {  	_ = 	snop  }
0x3c: {  	p2 =	seq.s32 s10, $0x1;
	s10 =	sld [smem:$0x3FBA]  }
0x3d: {  	_ =	shalt  }
0x3e: {  	_ =	shalt  }
0x3f: {  	_ =	shalt  }
0x40: {  	_ =	shalt  }
0x41: {  	_ =	shalt  }
0x42: {  	_ =	shalt  }
0x43: {  	_ =	shalt  }
0x44: {  	_ =	shalt  }
0x45: {  	_ =	shalt  }
0x46: {  	_ =	shalt  }
0x47: {  	_ =	shalt  }
0x48: {  	_ =	shalt  }
0x49: {  	_ =	shalt  }
0x4a: {  	_ =	shalt  }
0x4b: {  	_ =	shalt  }
0x4c: {  	_ =	shalt  }
0x4d: {  	_ =	shalt  }
0x4e: {  	_ =	shalt  }
0x4f: {  	_ =	shalt  }
0x50: {  	_ =	shalt  }
0x51: {  	_ =	shalt  }
0x52: {  	_ =	shalt  }
0x53: {  	_ =	shalt  }
0x54: {  	_ =	shalt  }
0x55: {  	_ =	shalt  }
0x56: {  	_ =	shalt  }
0x57: {  	_ =	shalt  }
0x58: {  	_ =	shalt  }
0x59: {  	_ =	shalt  }
0x5a: {  	_ =	shalt  }
0x5b: {  	_ =	shalt  }
0x5c: {  	_ =	shalt  }
0x5d: {  	_ =	shalt  }
0x5e: {  	_ =	shalt  }
0x5f: {  	_ =	shalt  }
0x60: {  	_ =	shalt  }
0x61: {  	_ =	shalt  }
0x62: {  	_ =	shalt  }
0x63: {  	_ =	shalt  }
0x64: {  	_ =	shalt  }
0x65: {  	_ =	shalt  }
0x66: {  	_ =	shalt  }
0x67: {  	_ =	shalt  }
0x68: {  	_ =	shalt  }
0x69: {  	_ =	shalt  }
0x6a: {  	_ =	shalt  }
0x6b: {  	_ =	shalt  }
0x6c: {  	_ =	shalt  }
0x6d: {  	_ =	shalt  }
0x6e: {  	_ =	shalt  }
0x6f: {  	_ =	shalt  }
0x70: {  	_ =	shalt  }
0x71: {  	_ =	shalt  }
0x72: {  	_ =	shalt  }
0x73: {  	_ =	shalt  }
0x74: {  	_ =	shalt  }
0x75: {  	_ =	shalt  }
0x76: {  	_ =	shalt  }
0x77: {  	_ =	shalt  }
0x78: {  	_ =	shalt  }
0x79: {  	_ =	shalt  }
0x7a: {  	_ =	shalt  }
0x7b: {  	_ =	shalt  }
0x7c: {  	_ =	shalt  }
0x7d: {  	_ =	shalt  }
0x7e: {  	_ =	shalt  }
0x7f: {  	_ =	shalt  }
0x80: {  	_ =	shalt  }
0x81: {  	_ =	shalt  }
0x82: {  	_ =	shalt  }
0x83: {  	_ =	shalt  }
0x84: {  	_ =	shalt  }
0x85: {  	_ =	shalt  }
0x86: {  	_ =	shalt  }
0x87: {  	_ =	shalt  }
.Lfunc_end0:
.L_simem_size_0:
called_computation_lowered:
.L_overlay_start_0:
0x88: {  	s2 =	sld [smem:$0x3FD9]  }
0x89: {  	s3 =	sld [smem:$0x3FFE];
	_ =	sdelay $0x1  }
0x8a: {  	s1 =	srdreg.scid  }
0x8b: {  	s0 =	sand.u32 $0x1, s1  }
0x8c: {  	s16 =	sshll.u32 s0, $0xA;
	s2 =	sadd.s32 s3, s2  }
0x8d: {  	s2 =	sadd.s32 s2, s16  }
0x8e: {  	[smem:$0x3FC6] =	sst s2  }
0x8f: {  	_ = 	snop  }
0x90: {  	(tm) =	ssettm $0x1  }
0x91: {  	s17 =	sld [smem:$0x3FFB];
	_ =	sdelay $0x3  }
0x92: {  	_ =	strace s17  }
0x93: {  	s2 =	sld [smem:$0x3FFC];
	_ =	sdelay $0x3  }
0x94: {  	_ =	strace s2  }
0x95: {  	s2 =	sld [smem:$0x3FFD];
	_ =	sdelay $0x3  }
0x96: {  	_ =	strace s2  }
0x97: {  	_ =	strace $0x8FFFFFFF  }
0x98: {  	s18 =	sld [smem:$0x3FDB];
	_ =	sdelay $0x1  }
0x99: {  	s19 =	simm.s32 $_scs_section_size  }
0x9a: {  	s4 =	simm.s32 $_size__tile_overlayer_lowered;
	s5 =	simm.s32 $_tile_overlayer_lowered  }
0x9b: {  	s22 =	simm.s32 $0x1BFF;
	s21 =	sshll.u32 s5, $0x1;
	s2 =	sadd.s32 s19, s18  }
0x9c: {  	s6 =	simm.s32 $0x0;
	s20 =	sshll.u32 s4, $0x1;
	s4 =	sadd.s32 s21, s2  }
0x9d: {  	[timem:s6], [sflag:s22] =	dma.local [hbm:s4], s20  }
0x9e: {  	_ =	swait.ge [sflag:s22], s20  }
0x9f: {  	s3 =	ssub.s32 $0x0, s20;
	[sflag:s22] =	ssyncset.done $0x0  }
0xa0: {  	[sflag:s22] =	ssyncadd.s32 s3;
	_ =	sdelay $0x1  }
0xa1: {  	s23 =	simm.s32 $0x1B8B  }
0xa2: {  	_ =	swait.ge [sflag:s23], $0x1  }
0xa3: {  	[sflag:s23] =	ssyncset.done $0x0  }
0xa4: {  	s25 =	simm.s32 $0x1B8E;
	s24 =	sld [smem:$0x3FFE];
	[sflag:s23] =	ssyncadd.s32 $0xFFFFFFFF  }
0xa5: {  	s26 =	simm.s32 $execute0_lowered;
	[smem:$0x3FD2] =	sst s25  }
0xa6: {  	s4 =	sshll.u32 s26, $0x1;
	_ =	strace $0x80000046;
	[dreg:$0x1] =	wrdreg $0xFFFFFFFF  }
0xa7: {  	s28 =	simm.s32 $_size_execute0_lowered;
	s2 =	sadd.s32 s2, s4;
	[dreg:$0x0] =	wrdreg $0x0  }
0xa8: {  	s4 =	sshll.u32 s28, $0x1;
	[dreg:$0x2] =	wrdreg s2  }
0xa9: {  	[dreg:$0x3] =	wrdreg s4  }
0xaa: {  	[dreg:$0x4] =	wrdreg $0xC0  }
0xab: {  	_ =	task [dreg:s6], $0x5FFFF  }
0xac: {  	[dreg:$0x1] =	wrdreg $0xFFFFFFFF  }
0xad: {  	[dreg:$0x0] =	wrdreg $0x60  }
0xae: {  	[dreg:$0x2] =	wrdreg s24  }
0xaf: {  	[dreg:$0x3] =	wrdreg $0x9  }
0xb0: {  	_ =	task.clear_ibuf [dreg:s6], $0x4FFFF;
	_ =	strace $0x90000046  }
0xb1: {  	s29 =	simm.s32 $0x9;
	_ =	strace $0x80000048  }
0xb2: {  	_ =	swait.ge [sflag:s29], $0x1  }
0xb3: {  	[sflag:s29] =	ssyncadd.s32 $0xFFFFFFFF  }
0xb4: {  	_ =	strace $0x90000048  }
0xb5: {  	_ =	sfence  }
0xb6: {  	s30 =	sld [smem:$0x0];
	_ =	sdelay $0x2  }
0xb7: {  	s31 =	sshll.u32 s1, $0xD;
	s1 =	sshrl.u32 s1, $0x2  }
0xb8: {  	s3 =	sand.u32 $0x4000, s31;
	s1 =	sadd.s32 s1, s30  }
0xb9: {  	s0 =	sor.u32 s3, s0;
	s1 =	sshll.u32 s1, $0x11  }
0xba: {  	s0 =	sor.u32 s1, s0  }
0xbb: {  	s0 =	sadd.s32 $0x8F2B, s0  }
0xbc: {  	[sflag:s0] =	ssyncadd.remote.s32 $0x1  }
0xbd: {  	_ =	sfence.sel $0xFFFF  }
0xbe: {  	[dreg:$0x0] =	wrdreg $0xFFFFFFFF;
	(pc) =	sbr.abs _section_cstart, $3  }
0xbf: {  	[dreg:$0x1] =	wrdreg $0xFFFFFFFF  }
0xc0: {  	_ =	task.clear_ibuf [dreg:s6], $0x2FFFF;
	_ =	strace $0x9FFFFFFF  }
0xc1: {  	(tm) =	ssettm $0x7FFFFFFF  }
tec
execute0_lowered:
.L_overlay_start_1:
0x0: {  	(tag) =	ssettag $0x1  }
0x1: {  	s3 =	rddreg [dreg:$0x0]  }
0x2: {  	s0 =	rddreg [dreg:$0x1];
	s2 =	simm.s32 $0x0;
	s4 =	srdreg.scid  }
0x3: {  	s1 =	stileid.u32;
	s8 =	simm.s32 $0x200;
	s9 =	simm.s32 $0x400  }
0x4: {  	[smem:$0x7FF] =	sst s2;
	s4 =	sand.u32 $0x1, s4;
	s5 =	sshll.u32 s1, $0x1  }
0x5: {  	s10 =	simm.s32 $0x0;
	_ =	strace $0x80000047;
	s5 =	sor.u32 s4, s5  }
0x6: {  	s4 =	ssub.s32 $0x2, s4;
	s6 =	sshll.u32 s5, $0x6;
	s5 =	sshll.u32 s5, $0x9  }
0x7: {  	s31 =	sshrl.u32 s4, $0x1;
	s6 =	sadd.s32 s6, s3;
	s5 =	sadd.s32 s5, s3  }
0x8: {  	s7 =	ssub.s32 s4, s31;
	s3 =	sadd.s32 $0xE00, s6;
	s4 =	sadd.s32 $0x1600, s6  }
0x9: {  	v0 =	vimm.f32 $0.0e+00;
	s5 =	sadd.s32 $0x1E00, s5;
	s6 =	smax.u32 s7, $0x1;
	s7 =	simm.s32 $0x1  }
.LBB2_1:
0xa: {  	[tilespmem:s2], [sflag:$0x1] =	stream.linear.gather [hbm4b:s3+s2], $0x200, $0x38;
	[tilespmem:$0x1400] =	vst v63  }
0xb: {  	_ =	swait.ge [sflag:s7], $0x200  }
0xc: {  	[sflag:s7] =	ssyncset.done $0x0  }
0xd: {  	[sflag:s7] =	ssyncadd.s32 $0xFFFFFE00  }
0xe: {  	[tilespmem:s8], [sflag:$0x1] =	stream.linear.gather [hbm4b:s4+s2], $0x200, $0x38;
	[tilespmem:$0x1400] =	vst v63  }
0xf: {  	_ =	swait.ge [sflag:s7], $0x200  }
0x10: {  	[sflag:s7] =	ssyncset.done $0x0  }
0x11: {  	s11 =	simm.s32 $0x0;
	[sflag:s7] =	ssyncadd.s32 $0xFFFFFE00  }
0x12: {  	v2 =	vld [tilespmem:s11+$0x0];
	_ =	sdelay $0x1  }
0x13: {  	v23 =	vimm.f32 $0.0e+00;
	v31 =	vimm.f32 $0.0e+00;
	v29 =	vimm.f32 $0.0e+00  }
0x14: {  	v28 =	vimm.f32 $0.0e+00;
	v26 =	vimm.f32 $0.0e+00;
	v25 =	vimm.f32 $0.0e+00  }
0x15: {  	v32 =	vimm.f32 $0.0e+00;
	v24 =	vimm.f32 $0.0e+00;
	v22 =	vimm.f32 $0.0e+00  }
0x16: {  	v30 =	vimm.f32 $0.0e+00;
	vm2 =	vgt.f32 v2, $0.0e+00;
	vm3 =	vle.f32 v2, $1.000000010e-01  }
0x17: {  	vm4 =	vle.f32 v2, $2.000000030e-01;
	vm1 =	vgt.f32 v2, $2.000000030e-01;
	vm0 =	vgt.f32 v2, $3.000000120e-01  }
0x18: {  	v1 =	vld [tilespmem:s11+$0x200];
	vm5 =	vle.f32 v2, $4.000000060e-01;
	vm6 =	vle.f32 v2, $5.000000000e-01;
	vm7 =	vle.f32 v2, $1.000000000e+00  }
0x19: {  	vm8 =	vle.f32 v2, $8.000000110e-01;
	vm9 =	vgt.f32 v2, $9.000000350e-01;
	vm10 =	vgt.f32 v2, $6.999999880e-01  }
0x1a: {  	vm14 =	vle.f32 v2, $3.000000120e-01;
	vm15 =	vgt.f32 v2, $4.000000060e-01;
	vm12 =	vgt.f32 v2, $6.000000240e-01  }
0x1b: {  	vm5 =	vmand vm0, vm5;
	vm0 =	vmand vm9, vm7;
	vm13 =	vmand vm10, vm8  }
0x1c: {  	vm9 =	vgt.f32 v2, $5.000000000e-01;
	vm1 =	vmand vm1, vm14;
	vm6 =	vmand vm15, vm6  }
0x1d: {  	vm14 =	vle.f32 v2, $6.000000240e-01;
	vm2 =	vmand vm2, vm3;
	vm3 =	vgt.f32 v2, $1.000000010e-01  }
0x1e: {  	v3 =	vsel vm13, $0x3F800000, v0;
	v4 =	vnsel vm13, $0x0, v1;
	v5 =	vnsel vm13, $0x0, v2  }
0x1f: {  	vm13 =	vle.f32 v2, $6.999999880e-01;
	v6 =	vsel vm5, $0x3F800000, v0;
	v7 =	vnsel vm5, $0x0, v2  }
0x20: {  	v8 =	vnsel vm5, $0x0, v1;
	vm3 =	vmand vm3, vm4;
	vm5 =	vmand vm9, vm14  }
0x21: {  	v12 =	vnsel vm6, $0x0, v2;
	v17 =	vnsel vm6, $0x0, v1;
	v16 =	vnsel vm2, $0x0, v1  }
0x22: {  	v34 =	vnsel vm2, $0x0, v2;
	v18 =	vsel vm2, $0x3F800000, v0;
	vm2 =	vle.f32 v2, $9.000000350e-01  }
0x23: {  	vm15 =	vmand vm12, vm13;
	v13 =	vadd.f32 v6, v0;
	v10 =	vadd.f32 v3, v0  }
0x24: {  	v6 =	vsel vm6, $0x3F800000, v0;
	v3 =	vadd.f32 v4, v0;
	v5 =	vadd.f32 v5, v0  }
0x25: {  	v4 =	vadd.f32 v8, v0;
	v35 =	vsel vm5, $0x3F800000, v0;
	v33 =	vnsel vm5, $0x0, v2  }
0x26: {  	v8 =	vnsel vm5, $0x0, v1;
	v11 =	vadd.f32 v7, v0;
	v12 =	vadd.f32 v12, v0  }
0x27: {  	v37 =	vsel vm3, $0x3F800000, v0;
	v36 =	vnsel vm3, $0x0, v2;
	v20 =	vnsel vm3, $0x0, v1  }
0x28: {  	vm3 =	vgt.f32 v2, $8.000000110e-01;
	v7 =	vadd.f32 v16, v0;
	v27 =	vadd.f32 v18, v0  }
0x29: {  	v18 =	vimm.f32 $0.0e+00;
	v9 =	vsel vm15, $0x3F800000, v0;
	v14 =	vnsel vm15, $0x0, v2  }
0x2a: {  	v15 =	vnsel vm15, $0x0, v1;
	v19 =	vadd.f32 v6, v0;
	v6 =	vadd.f32 v17, v0  }
0x2b: {  	vm2 =	vmand vm3, vm2;
	v21 =	vadd.f32 v9, v0;
	v16 =	vadd.f32 v14, v0  }
0x2c: {  	v17 =	vnsel vm0, $0x0, v2;
	v9 =	vadd.f32 v8, v0;
	v14 =	vadd.f32 v20, v0  }
0x2d: {  	v8 =	vadd.f32 v15, v0;
	v39 =	vsel vm2, $0x3F800000, v0;
	v38 =	vnsel vm2, $0x0, v1  }
0x2e: {  	s11 =	simm.s32 $0x40;
	v17 =	vadd.f32 v17, v0;
	v15 =	vimm.f32 $0.0e+00;
	v20 =	vimm.f32 $0.0e+00  }
.LBB2_2:
0x2f: {  	s12 =	sshra.s32 s11, $0x2;
	v43 =	vnsel vm2, $0x0, v2;
	v45 =	vsel vm1, $0x3F800000, v0;
	v24 =	vadd.f32 v33, v24  }
0x30: {  	v2 =	vnsel vm1, $0x0, v2;
	v23 =	vadd.f32 v34, v23;
	v15 =	vadd.f32 v38, v15;
	v44 =	vld [tilespmem:s12+$0x0]  }
0x31: {  	v46 =	vsel vm0, $0x3F800000, v0;
	v31 =	vadd.f32 v37, v31;
	v20 =	vadd.f32 v43, v20  }
0x32: {  	v29 =	vadd.f32 v35, v29;
	v25 =	vadd.f32 v2, v25;
	v2 =	vnsel vm1, $0x0, v1  }
0x33: {  	v47 =	vnsel vm0, $0x0, v1;
	v28 =	vadd.f32 v39, v28;
	v26 =	vadd.f32 v36, v26  }
0x34: {  	v48 =	vimm.s32 $0x0;
	v32 =	vadd.f32 v45, v32;
	v30 =	vadd.f32 v46, v30  }
0x35: {  	v18 =	vadd.f32 v47, v18;
	v22 =	vadd.f32 v2, v22;
	vm4 =	vgt.f32 v44, $0.0e+00;
	v2 =	vmovc v44  }
0x36: {  	v1 =	vld [tilespmem:s12+$0x200];
	vm5 =	vle.f32 v44, $1.000000010e-01;
	vm6 =	vle.f32 v2, $2.000000030e-01;
	vm2 =	vgt.f32 v2, $2.000000030e-01  }
0x37: {  	vm0 =	vle.f32 v2, $9.000000350e-01;
	vm1 =	vgt.f32 v2, $3.000000120e-01;
	vm11 =	vle.f32 v2, $4.000000060e-01  }
0x38: {  	vm3 =	vgt.f32 v2, $8.000000110e-01;
	vm12 =	vle.f32 v2, $5.000000000e-01;
	vm7 =	vgt.f32 v2, $5.000000000e-01  }
0x39: {  	vm13 =	vle.f32 v2, $1.000000000e+00;
	vm9 =	vgt.f32 v2, $6.000000240e-01;
	vm10 =	vle.f32 v2, $6.999999880e-01  }
0x3a: {  	vm14 =	vle.f32 v2, $8.000000110e-01;
	vm15 =	vgt.f32 v2, $4.000000060e-01;
	vm8 =	vle.f32 v2, $6.000000240e-01  }
0x3b: {  	vm4 =	vmand vm4, vm5;
	v33 =	vsel vm0, $0xFFFFFFFF, v48;
	vm0 =	vgt.f32 v2, $9.000000350e-01  }
0x3c: {  	vm11 =	vmand vm1, vm11;
	vm1 =	vgt.f32 v2, $6.999999880e-01;
	v57 =	vnsel vm4, $0x0, v1  }
0x3d: {  	v34 =	vnsel vm4, $0x0, v2;
	vm7 =	vmand vm7, vm8;
	v60 =	vsel vm4, $0x3F800000, v0  }
0x3e: {  	vm0 =	vmand vm0, vm13;
	v49 =	vsel vm11, $0x3F800000, v0;
	vm13 =	vmand vm1, vm14  }
0x3f: {  	vm1 =	vle.f32 v2, $3.000000120e-01;
	v53 =	vnsel vm11, $0x0, v2;
	v54 =	vnsel vm11, $0x0, v1  }
0x40: {  	[tilespmem:$0x1FFF0] =	vst v33;
	v35 =	vsel vm7, $0x3F800000, v0;
	v33 =	vnsel vm7, $0x0, v2;
	v7 =	vadd.f32 v57, v7  }
0x41: {  	v61 =	vnsel vm7, $0x0, v1;
	v27 =	vadd.f32 v60, v27;
	v40 =	vnsel vm0, $0x0, v2  }
0x42: {  	v13 =	vadd.f32 v49, v13;
	v50 =	vsel vm13, $0x3F800000, v0;
	vm1 =	vmand vm2, vm1  }
0x43: {  	v51 =	vnsel vm13, $0x0, v1;
	vm2 =	vmand vm15, vm12;
	v52 =	vnsel vm13, $0x0, v2  }
0x44: {  	vm12 =	vgt.f32 v2, $1.000000010e-01;
	v4 =	vadd.f32 v54, v4;
	v11 =	vadd.f32 v53, v11  }
0x45: {  	vm15 =	vmand vm9, vm10;
	v9 =	vadd.f32 v61, v9;
	v10 =	vadd.f32 v50, v10  }
0x46: {  	v63 =	vld [tilespmem:$0x1FFF0];
	v3 =	vadd.f32 v51, v3;
	v55 =	vsel vm2, $0x3F800000, v0;
	v56 =	vnsel vm2, $0x0, v2  }
0x47: {  	v5 =	vadd.f32 v52, v5;
	vm14 =	vmand vm12, vm6;
	v58 =	vsel vm15, $0x3F800000, v0  }
0x48: {  	p0 =	sne.s32 s11, $0x7C0;
	v59 =	vnsel vm15, $0x0, v2;
	v41 =	vnsel vm15, $0x0, v1;
	v17 =	vadd.f32 v40, v17  }
.Ltmp0:
0x49: {  	v42 =	vnsel vm2, $0x0, v1;
	v19 =	vadd.f32 v55, v19;
	v12 =	vadd.f32 v56, v12;
	(pc) =	sbr.rel @p0 .LBB2_2-.Ltmp0, $4  }
0x4a: {  	v37 =	vsel vm14, $0x3F800000, v0;
	v21 =	vadd.f32 v58, v21;
	v36 =	vnsel vm14, $0x0, v2  }
0x4b: {  	v16 =	vadd.f32 v59, v16;
	v6 =	vadd.f32 v42, v6;
	vm2 =	vnez.u8 v63  }
0x4c: {  	v62 =	vnsel vm14, $0x0, v1;
	v8 =	vadd.f32 v41, v8;
	vm2 =	vmand vm3, vm2  }
0x4d: {  	s11 =	sadd.s32 $0x40, s11;
	v14 =	vadd.f32 v62, v14;
	v39 =	vsel vm2, $0x3F800000, v0;
	v38 =	vnsel vm2, $0x0, v1  }
0x4e: {  	[tilespmem:$0x400] =	vst v27  }
0x4f: {  	[tilespmem:$0x580] =	vst v13  }
0x50: {  	[tilespmem:$0x600] =	vst v19  }
0x51: {  	[tilespmem:$0x700] =	vst v21  }
0x52: {  	[tilespmem:$0x780] =	vst v10  }
0x53: {  	[tilespmem:$0xA80] =	vst v11  }
0x54: {  	[tilespmem:$0xB00] =	vst v12  }
0x55: {  	[tilespmem:$0xC00] =	vst v16  }
0x56: {  	[tilespmem:$0xC80] =	vst v5  }
0x57: {  	[tilespmem:$0xD80] =	vst v17  }
0x58: {  	[tilespmem:$0xE00] =	vst v7  }
0x59: {  	[tilespmem:$0xF80] =	vst v4  }
0x5a: {  	[tilespmem:$0x1000] =	vst v6  }
0x5b: {  	[tilespmem:$0x1080] =	vst v9  }
0x5c: {  	[tilespmem:$0x1100] =	vst v8  }
0x5d: {  	[tilespmem:$0x1180] =	vst v3  }
0x5e: {  	[tilespmem:$0x1300] =	vst v0  }
0x5f: {  	v31 =	vadd.f32 v37, v31;
	[tilespmem:$0x1380] =	vst v0  }
0x60: {  	v57 =	vadd.f32 v35, v29;
	[tilespmem:$0xE80] =	vst v14  }
0x61: {  	v58 =	vadd.f32 v39, v28;
	[tilespmem:$0x480] =	vst v31  }
0x62: {  	v60 =	vadd.f32 v34, v23;
	[tilespmem:$0x680] =	vst v57  }
0x63: {  	v62 =	vadd.f32 v36, v26;
	[tilespmem:$0x800] =	vst v58  }
0x64: {  	v56 =	vsel vm1, $0x3F800000, v0;
	v63 =	vadd.f32 v33, v24;
	[tilespmem:$0x900] =	vst v60  }
0x65: {  	v61 =	vnsel vm1, $0x0, v2;
	v2 =	vnsel vm2, $0x0, v2;
	v32 =	vadd.f32 v56, v32;
	[tilespmem:$0x980] =	vst v62  }
0x66: {  	v59 =	vsel vm0, $0x3F800000, v0;
	v2 =	vadd.f32 v2, v20;
	[tilespmem:$0xB80] =	vst v63  }
0x67: {  	v19 =	vadd.f32 v59, v30;
	[tilespmem:$0x500] =	vst v32  }
0x68: {  	v13 =	vadd.f32 v61, v25;
	[tilespmem:$0xD00] =	vst v2;
	v2 =	vnsel vm1, $0x0, v1  }
0x69: {  	[tilespmem:$0x880] =	vst v19;
	v1 =	vnsel vm0, $0x0, v1;
	v2 =	vadd.f32 v2, v22  }
0x6a: {  	[tilespmem:$0xA00] =	vst v13;
	v1 =	vadd.f32 v1, v18  }
0x6b: {  	s10 =	sadd.s32 $0x1, s10;
	[tilespmem:$0xF00] =	vst v2;
	v2 =	vadd.f32 v38, v15  }
0x6c: {  	p0 =	sne.s32 s10, s6;
	[tilespmem:$0x1280] =	vst v1  }
.Ltmp1:
0x6d: {  	[tilespmem:$0x1200] =	vst v2;
	(pc) =	sbr.rel @p0 .LBB2_1-.Ltmp1, $4  }
0x6e: {  	[hbm4b:s5+s2] =	stream.linear.scatter [tilespmem:s9], [sflag:$0x1], $0x1000, $0x38;
	[tilespmem:$0x1400] =	vst v63  }
0x6f: {  	_ =	swait.ge [sflag:s7], $0x1000  }
0x70: {  	[sflag:s7] =	ssyncset.done $0x0  }
0x71: {  	[sflag:s7] =	ssyncadd.s32 $0xFFFFF000  }
0x72: {  	_ =	sfence.sel $0x180000  }
0x73: {  	[bflag:$0x0] =	sbarrier.arrive $0xFFFF  }
0x74: {  	p0 =	sne.s32 s1, $0x0;
	_ =	strace $0x90000047  }
0x75: {  	s0 =	sadd.s32 @!p0 $0x100000, s0;
	[bflag:$0x2] =	sbarrier.arrive $0xFFFF  }
0x76: {  	[sflag:s0] =	ssyncadd.tile.s32 @!p0 $0x1;
	_ =	shalt  }
.Lfunc_end2:
_tile_overlayer_lowered:
.L_overlay_start_2:
0x77: {  	(tag) =	ssettag $0x2  }
0x78: {  	s0 =	rddreg [dreg:$0x0];
	s2 =	stileid.u32  }
0x79: {  	s1 =	rddreg [dreg:$0x1];
	p0 =	sne.s32 s2, $0x0  }
0x7a: {  	s3 =	rddreg [dreg:$0x2];
	[bflag:$0x3] =	sbarrier.arrive $0xFFFF;
	s2 =	simm.s32 @!p0 $0x1C01  }
0x7b: {  	[timem:s3], [sflag:s2] =	dma.local @!p0 [hbm:s0], s1  }
0x7c: {  	s0 =	simm.s32 @!p0 $0x1  }
0x7d: {  	_ =	swait.ge @!p0 [sflag:s0], s1  }
0x7e: {  	s1 =	ssub.s32 @!p0 $0x0, s1;
	[sflag:s0] =	ssyncset.done @!p0 $0x0  }
0x7f: {  	[sflag:s0] =	ssyncadd.s32 @!p0 s1  }
0x80: {  	[bflag:$0x3] =	sbarrier.arrive $0xFFFF  }
0x81: {  	_ =	shalt  }

</sc_bundles>
